<compile_context>
chip_gen: v7x
topology: tpu7x:2x2x1
jax: 0.10.2.dev20260603
libtpu: 0.0.44.dev20260713+nightly
codegen_flags: <defaults>
</compile_context>

<pallas_src>
import jax
import jax.numpy as jnp
from jax import lax
from jax.experimental import pallas as pl
from jax.experimental.pallas import tpu as pltpu
from jax.experimental.pallas import tpu_sc as plsc

N_CORES = 2
N_SUBCORES = 16
LANES = 16
N_WORKERS = N_CORES * N_SUBCORES

BATCH = 16384
DIM = 32
B_PER_W = BATCH // N_WORKERS
WBLK = 128
NRING = 10
SLACK = 3


def _win_copy(tbl_hbm, win, sem, ridx, slot):
    c0 = pl.multiple_of(lax.bitwise_and(ridx, jnp.int32(-WBLK)), WBLK)
    return pltpu.make_async_copy(
        tbl_hbm.at[:, pl.ds(c0, WBLK)],
        win.at[pl.ds(slot * DIM, DIM), :],
        sem.at[slot],
    )


def _idx_at(idx_ref, k):
    return idx_ref[pl.ds(k, LANES)][0]


def _mf_body(user_hbm, item_hbm, uwt_hbm, iwt_hbm, out_hbm,
             uidx, iidx, uwin, iwin, urows, irows, outv, usem, isem):
    wid = lax.axis_index("s") * N_CORES + lax.axis_index("c")
    base = wid * B_PER_W

    pltpu.sync_copy(user_hbm.at[pl.ds(base, B_PER_W)],
                    uidx.at[pl.ds(0, B_PER_W)])
    pltpu.sync_copy(item_hbm.at[pl.ds(base, B_PER_W)],
                    iidx.at[pl.ds(0, B_PER_W)])

    lane = lax.iota(jnp.int32, LANES)

    for s in range(NRING - SLACK):
        _win_copy(uwt_hbm, uwin, usem, _idx_at(uidx, s), s).start()
        _win_copy(iwt_hbm, iwin, isem, _idx_at(iidx, s), s).start()

    def extract(win, slot, col):
        row_lo = slot * DIM + lane
        cvec = jnp.full((LANES,), col, jnp.int32) + lane * 0
        lo = plsc.load_gather(win, [row_lo, cvec])
        hi = plsc.load_gather(win, [row_lo + LANES, cvec])
        return lo, hi

    def gather_step(k, carry):
        slot = lax.rem(k, NRING)
        ur = _idx_at(uidx, k)
        ir = _idx_at(iidx, k)
        _win_copy(uwt_hbm, uwin, usem, ur, slot).wait()
        _win_copy(iwt_hbm, iwin, isem, ir, slot).wait()
        ulo, uhi = extract(uwin, slot, lax.bitwise_and(ur, WBLK - 1))
        ilo, ihi = extract(iwin, slot, lax.bitwise_and(ir, WBLK - 1))
        urows[pl.ds(k * DIM, LANES)] = ulo
        urows[pl.ds(k * DIM + LANES, LANES)] = uhi
        irows[pl.ds(k * DIM, LANES)] = ilo
        irows[pl.ds(k * DIM + LANES, LANES)] = ihi

        nxt = k + NRING - SLACK
        nslot = lax.rem(nxt, NRING)

        @pl.when(nxt < B_PER_W)
        def _():
            _win_copy(uwt_hbm, uwin, usem, _idx_at(uidx, nxt), nslot).start()
            _win_copy(iwt_hbm, iwin, isem, _idx_at(iidx, nxt), nslot).start()

        return carry

    lax.fori_loop(0, B_PER_W, gather_step, 0)

    def group(g, carry):
        rbase = g * LANES * DIM + lane * DIM
        acc = jnp.zeros((LANES,), jnp.float32)
        for d in range(DIM):
            off = rbase + lax.bitwise_and(lane + d, DIM - 1)
            u = plsc.load_gather(urows, [off])
            v = plsc.load_gather(irows, [off])
            acc = acc + u * v
        outv[pl.ds(g * LANES, LANES)] = 1.0 / (1.0 + jnp.exp(-acc))
        return carry

    lax.fori_loop(0, B_PER_W // LANES, group, 0)
    pltpu.sync_copy(outv, out_hbm.at[pl.ds(base, B_PER_W)])


def kernel(user, item, user_emb_weight, item_emb_weight):
    uwt = user_emb_weight.T
    iwt = item_emb_weight.T
    mesh = plsc.VectorSubcoreMesh(core_axis_name="c", subcore_axis_name="s")
    f = pl.kernel(
        _mf_body,
        out_type=jax.ShapeDtypeStruct((BATCH,), jnp.float32),
        mesh=mesh,
        compiler_params=pltpu.CompilerParams(
            needs_layout_passes=False, use_tc_tiling_on_sc=True),
        scratch_types=[
            pltpu.VMEM((B_PER_W + LANES,), jnp.int32),
            pltpu.VMEM((B_PER_W + LANES,), jnp.int32),
            pltpu.VMEM((NRING * DIM, WBLK), jnp.float32),
            pltpu.VMEM((NRING * DIM, WBLK), jnp.float32),
            pltpu.VMEM((B_PER_W * DIM,), jnp.float32),
            pltpu.VMEM((B_PER_W * DIM,), jnp.float32),
            pltpu.VMEM((B_PER_W,), jnp.float32),
            pltpu.SemaphoreType.DMA((NRING,)),
            pltpu.SemaphoreType.DMA((NRING,)),
        ],
    )
    return f(user, item, uwt, iwt)

# --- scband reference (transcript-rebuilt; emitter-appended) ---
"""Pipeline reference for scband-mf-25185688224333 (READ-ONLY COPY).

The authoritative reference and input builder live on the scoring server;
editing this copy changes nothing except your own understanding.
"""

import jax, jax.numpy as jnp
import numpy as np

N_USERS = 1000000
N_ITEMS = 1000000
EMB_DIM = 32
BATCH = 16384
INIT_STD = 0.1


def setup_inputs(seed: int = 0) -> dict:
    key = jax.random.key(seed)
    k_u, k_i, k_ue, k_ie = jax.random.split(key, 4)
    user = jax.random.randint(k_u, (BATCH,), 0, N_USERS, dtype=jnp.int64 if jax.config.jax_enable_x64 else jnp.int32).astype(jnp.int32)
    item = jax.random.randint(k_i, (BATCH,), 0, N_ITEMS, dtype=jnp.int32)
    user_emb_weight = jax.random.normal(k_ue, (N_USERS, EMB_DIM), dtype=jnp.float32) * INIT_STD
    item_emb_weight = jax.random.normal(k_ie, (N_ITEMS, EMB_DIM), dtype=jnp.float32) * INIT_STD
    return {"user": user, "item": item, "user_emb_weight": user_emb_weight, "item_emb_weight": item_emb_weight}


def reference(user, item, user_emb_weight, item_emb_weight):
    # Embedding lookups (gather)
    u_e = jnp.take(user_emb_weight, user, axis=0)
    i_e = jnp.take(item_emb_weight, item, axis=0)
    linear_pred = jnp.sum(u_e * i_e, axis=-1)
    return jax.nn.sigmoid(linear_pred)

if __name__ == "__main__":
    import jax
    _d = setup_inputs()
    print(jax.jit(kernel)(*tuple(_d.values())))

</pallas_src>

<mosaic_0001>
#map = affine_map<(d0, d1) -> (0)>
#map1 = affine_map<(d0, d1) -> (0, 0)>
module attributes {stable_mosaic.version = 14 : i64} {
  func.func @_mf_body(%arg0: i32, %arg1: i32, %arg2: memref<16384xi32, #tpu.memory_space<hbm>>, %arg3: memref<16384xi32, #tpu.memory_space<hbm>>, %arg4: memref<32x1000000xf32, #tpu.memory_space<hbm>>, %arg5: memref<32x1000000xf32, #tpu.memory_space<hbm>>, %arg6: memref<16384xf32, #tpu.memory_space<hbm>>, %arg7: memref<528xi32, #tpu.memory_space<vmem>>, %arg8: memref<528xi32, #tpu.memory_space<vmem>>, %arg9: memref<320x128xf32, #tpu.memory_space<vmem>>, %arg10: memref<320x128xf32, #tpu.memory_space<vmem>>, %arg11: memref<16384xf32, #tpu.memory_space<vmem>>, %arg12: memref<16384xf32, #tpu.memory_space<vmem>>, %arg13: memref<512xf32, #tpu.memory_space<vmem>>, %arg14: memref<10x!tpu.dma_semaphore, #tpu.memory_space<semaphore_mem>>, %arg15: memref<10x!tpu.dma_semaphore, #tpu.memory_space<semaphore_mem>>) attributes {dimension_semantics = [#tpu.dimension_semantics<core_parallel>, #tpu.dimension_semantics<subcore_parallel>], iteration_bounds = array<i64: 2, 16>, scalar_prefetch = 0 : i64, scratch_operands = 9 : i64, tpu.core_type = #tpu.core_type<sc_vector_subcore>, window_params = [{transform_indices = #map}, {transform_indices = #map}, {transform_indices = #map1}, {transform_indices = #map1}, {transform_indices = #map}]} {
    %mul3A = arith.constant 2 : i32
    %mul3A_0 = arith.muli %arg1, %mul3A : i32
    %add3A = arith.addi %mul3A_0, %arg0 : i32
    %mul3A_1 = arith.constant 512 : i32
    %mul3A_2 = arith.muli %add3A, %mul3A_1 : i32
    "tpu.region"() ({
      %run_scoped3A = tpu.sem_alloc : memref<!tpu.dma_semaphore, #tpu.memory_space<semaphore_mem>>
      %dma_start3A_288 = arith.constant 0 : i32
      %dma_start3A_289 = tpu.memref_slice %arg7[%dma_start3A_288] : memref<528xi32, #tpu.memory_space<vmem>> -> memref<512xi32, #tpu.memory_space<vmem>>
      %dma_start3A_290 = tpu.memref_slice %arg2[%mul3A_2] : memref<16384xi32, #tpu.memory_space<hbm>> -> memref<512xi32, #tpu.memory_space<hbm>>
      %dma_start3A_291 = arith.constant 0 : i32
      %dma_start3A_292 = tpu.memref_slice %arg7[%dma_start3A_291] : memref<528xi32, #tpu.memory_space<vmem>> -> memref<512xi32, #tpu.memory_space<vmem>>
      %dma_start3A_293 = tpu.memref_slice %arg2[%mul3A_2] : memref<16384xi32, #tpu.memory_space<hbm>> -> memref<512xi32, #tpu.memory_space<hbm>>
      tpu.enqueue_dma source(%dma_start3A_293 : memref<512xi32, #tpu.memory_space<hbm>>) target(%dma_start3A_292 : memref<512xi32, #tpu.memory_space<vmem>>) target_semaphore(%run_scoped3A : memref<!tpu.dma_semaphore, #tpu.memory_space<semaphore_mem>>)
      %dma_wait3A = arith.constant 0 : i32
      %dma_wait3A_294 = tpu.memref_slice %arg7[%dma_wait3A] : memref<528xi32, #tpu.memory_space<vmem>> -> memref<512xi32, #tpu.memory_space<vmem>>
      %dma_wait3A_295 = tpu.memref_slice %arg2[%mul3A_2] : memref<16384xi32, #tpu.memory_space<hbm>> -> memref<512xi32, #tpu.memory_space<hbm>>
      %dma_wait3A_296 = arith.constant 0 : i32
      %dma_wait3A_297 = tpu.memref_slice %arg7[%dma_wait3A_296] : memref<528xi32, #tpu.memory_space<vmem>> -> memref<512xi32, #tpu.memory_space<vmem>>
      %dma_wait3A_298 = tpu.memref_slice %arg2[%mul3A_2] : memref<16384xi32, #tpu.memory_space<hbm>> -> memref<512xi32, #tpu.memory_space<hbm>>
      tpu.wait_dma2 semaphore(%run_scoped3A : memref<!tpu.dma_semaphore, #tpu.memory_space<semaphore_mem>>) src(%dma_wait3A_298 : memref<512xi32, #tpu.memory_space<hbm>>) dst(%dma_wait3A_297 : memref<512xi32, #tpu.memory_space<vmem>>)
      tpu.yield
    }) : () -> ()
    "tpu.region"() ({
      %run_scoped3A = tpu.sem_alloc : memref<!tpu.dma_semaphore, #tpu.memory_space<semaphore_mem>>
      %dma_start3A_288 = arith.constant 0 : i32
      %dma_start3A_289 = tpu.memref_slice %arg8[%dma_start3A_288] : memref<528xi32, #tpu.memory_space<vmem>> -> memref<512xi32, #tpu.memory_space<vmem>>
      %dma_start3A_290 = tpu.memref_slice %arg3[%mul3A_2] : memref<16384xi32, #tpu.memory_space<hbm>> -> memref<512xi32, #tpu.memory_space<hbm>>
      %dma_start3A_291 = arith.constant 0 : i32
      %dma_start3A_292 = tpu.memref_slice %arg8[%dma_start3A_291] : memref<528xi32, #tpu.memory_space<vmem>> -> memref<512xi32, #tpu.memory_space<vmem>>
      %dma_start3A_293 = tpu.memref_slice %arg3[%mul3A_2] : memref<16384xi32, #tpu.memory_space<hbm>> -> memref<512xi32, #tpu.memory_space<hbm>>
      tpu.enqueue_dma source(%dma_start3A_293 : memref<512xi32, #tpu.memory_space<hbm>>) target(%dma_start3A_292 : memref<512xi32, #tpu.memory_space<vmem>>) target_semaphore(%run_scoped3A : memref<!tpu.dma_semaphore, #tpu.memory_space<semaphore_mem>>)
      %dma_wait3A = arith.constant 0 : i32
      %dma_wait3A_294 = tpu.memref_slice %arg8[%dma_wait3A] : memref<528xi32, #tpu.memory_space<vmem>> -> memref<512xi32, #tpu.memory_space<vmem>>
      %dma_wait3A_295 = tpu.memref_slice %arg3[%mul3A_2] : memref<16384xi32, #tpu.memory_space<hbm>> -> memref<512xi32, #tpu.memory_space<hbm>>
      %dma_wait3A_296 = arith.constant 0 : i32
      %dma_wait3A_297 = tpu.memref_slice %arg8[%dma_wait3A_296] : memref<528xi32, #tpu.memory_space<vmem>> -> memref<512xi32, #tpu.memory_space<vmem>>
      %dma_wait3A_298 = tpu.memref_slice %arg3[%mul3A_2] : memref<16384xi32, #tpu.memory_space<hbm>> -> memref<512xi32, #tpu.memory_space<hbm>>
      tpu.wait_dma2 semaphore(%run_scoped3A : memref<!tpu.dma_semaphore, #tpu.memory_space<semaphore_mem>>) src(%dma_wait3A_298 : memref<512xi32, #tpu.memory_space<hbm>>) dst(%dma_wait3A_297 : memref<512xi32, #tpu.memory_space<vmem>>)
      tpu.yield
    }) : () -> ()
    %iota3A = tpu.iota {dimensions = array<i32: 0>} : vector<16xi32>
    %get3A = arith.constant 0 : index
    %get3A_3 = tpu.vector_load %arg7[%get3A] {strides = array<i32>} : memref<528xi32, #tpu.memory_space<vmem>>, vector<16xi32>,
    %slice3A = vector.extract_strided_slice %get3A_3 {offsets = [0], sizes = [1], strides = [1]} : vector<16xi32> to vector<1xi32>
    %squeeze3A = vector.extract %slice3A[0] : i32 from vector<1xi32>
    %and3A = arith.constant -128 : i32
    %and3A_4 = arith.andi %squeeze3A, %and3A : i32
    %multiple_of3A = tpu.assume_multiple %and3A_4, 128 : i32
    %dma_start3A = arith.constant 0 : i32
    %dma_start3A_5 = arith.constant 0 : i32
    %dma_start3A_6 = arith.constant 0 : i32
    %dma_start3A_7 = tpu.memref_slice %arg9[%dma_start3A_5, %dma_start3A_6] : memref<320x128xf32, #tpu.memory_space<vmem>> -> memref<32x128xf32, #tpu.memory_space<vmem>>
    %dma_start3A_8 = arith.constant 0 : i32
    %dma_start3A_9 = tpu.memref_slice %arg4[%dma_start3A_8, %multiple_of3A] : memref<32x1000000xf32, #tpu.memory_space<hbm>> -> memref<32x128xf32, #tpu.memory_space<hbm>>
    %dma_start3A_10 = tpu.memref_slice %arg14[%dma_start3A] : memref<10x!tpu.dma_semaphore, #tpu.memory_space<semaphore_mem>> -> memref<1x!tpu.dma_semaphore, #tpu.memory_space<semaphore_mem>>
    %dma_start3A_11 = tpu.memref_squeeze %dma_start3A_10 : memref<1x!tpu.dma_semaphore, #tpu.memory_space<semaphore_mem>> -> memref<!tpu.dma_semaphore, #tpu.memory_space<semaphore_mem>>
    %dma_start3A_12 = arith.constant 0 : i32
    %dma_start3A_13 = arith.constant 0 : i32
    %dma_start3A_14 = tpu.memref_slice %arg9[%dma_start3A_12, %dma_start3A_13] : memref<320x128xf32, #tpu.memory_space<vmem>> -> memref<32x128xf32, #tpu.memory_space<vmem>>
    %dma_start3A_15 = arith.constant 0 : i32
    %dma_start3A_16 = tpu.memref_slice %arg4[%dma_start3A_15, %multiple_of3A] : memref<32x1000000xf32, #tpu.memory_space<hbm>> -> memref<32x128xf32, #tpu.memory_space<hbm>>
    tpu.enqueue_dma source(%dma_start3A_16 : memref<32x128xf32, #tpu.memory_space<hbm>>) target(%dma_start3A_14 : memref<32x128xf32, #tpu.memory_space<vmem>>) target_semaphore(%dma_start3A_11 : memref<!tpu.dma_semaphore, #tpu.memory_space<semaphore_mem>>)
    %get3A_17 = arith.constant 0 : index
    %get3A_18 = tpu.vector_load %arg8[%get3A_17] {strides = array<i32>} : memref<528xi32, #tpu.memory_space<vmem>>, vector<16xi32>,
    %slice3A_19 = vector.extract_strided_slice %get3A_18 {offsets = [0], sizes = [1], strides = [1]} : vector<16xi32> to vector<1xi32>
    %squeeze3A_20 = vector.extract %slice3A_19[0] : i32 from vector<1xi32>
    %and3A_21 = arith.constant -128 : i32
    %and3A_22 = arith.andi %squeeze3A_20, %and3A_21 : i32
    %multiple_of3A_23 = tpu.assume_multiple %and3A_22, 128 : i32
    %dma_start3A_24 = arith.constant 0 : i32
    %dma_start3A_25 = arith.constant 0 : i32
    %dma_start3A_26 = arith.constant 0 : i32
    %dma_start3A_27 = tpu.memref_slice %arg10[%dma_start3A_25, %dma_start3A_26] : memref<320x128xf32, #tpu.memory_space<vmem>> -> memref<32x128xf32, #tpu.memory_space<vmem>>
    %dma_start3A_28 = arith.constant 0 : i32
    %dma_start3A_29 = tpu.memref_slice %arg5[%dma_start3A_28, %multiple_of3A_23] : memref<32x1000000xf32, #tpu.memory_space<hbm>> -> memref<32x128xf32, #tpu.memory_space<hbm>>
    %dma_start3A_30 = tpu.memref_slice %arg15[%dma_start3A_24] : memref<10x!tpu.dma_semaphore, #tpu.memory_space<semaphore_mem>> -> memref<1x!tpu.dma_semaphore, #tpu.memory_space<semaphore_mem>>
    %dma_start3A_31 = tpu.memref_squeeze %dma_start3A_30 : memref<1x!tpu.dma_semaphore, #tpu.memory_space<semaphore_mem>> -> memref<!tpu.dma_semaphore, #tpu.memory_space<semaphore_mem>>
    %dma_start3A_32 = arith.constant 0 : i32
    %dma_start3A_33 = arith.constant 0 : i32
    %dma_start3A_34 = tpu.memref_slice %arg10[%dma_start3A_32, %dma_start3A_33] : memref<320x128xf32, #tpu.memory_space<vmem>> -> memref<32x128xf32, #tpu.memory_space<vmem>>
    %dma_start3A_35 = arith.constant 0 : i32
    %dma_start3A_36 = tpu.memref_slice %arg5[%dma_start3A_35, %multiple_of3A_23] : memref<32x1000000xf32, #tpu.memory_space<hbm>> -> memref<32x128xf32, #tpu.memory_space<hbm>>
    tpu.enqueue_dma source(%dma_start3A_36 : memref<32x128xf32, #tpu.memory_space<hbm>>) target(%dma_start3A_34 : memref<32x128xf32, #tpu.memory_space<vmem>>) target_semaphore(%dma_start3A_31 : memref<!tpu.dma_semaphore, #tpu.memory_space<semaphore_mem>>)
    %get3A_37 = arith.constant 1 : index
    %get3A_38 = tpu.vector_load %arg7[%get3A_37] {strides = array<i32>} : memref<528xi32, #tpu.memory_space<vmem>>, vector<16xi32>,
    %slice3A_39 = vector.extract_strided_slice %get3A_38 {offsets = [0], sizes = [1], strides = [1]} : vector<16xi32> to vector<1xi32>
    %squeeze3A_40 = vector.extract %slice3A_39[0] : i32 from vector<1xi32>
    %and3A_41 = arith.constant -128 : i32
    %and3A_42 = arith.andi %squeeze3A_40, %and3A_41 : i32
    %multiple_of3A_43 = tpu.assume_multiple %and3A_42, 128 : i32
    %dma_start3A_44 = arith.constant 1 : i32
    %dma_start3A_45 = arith.constant 32 : i32
    %dma_start3A_46 = arith.constant 0 : i32
    %dma_start3A_47 = tpu.memref_slice %arg9[%dma_start3A_45, %dma_start3A_46] : memref<320x128xf32, #tpu.memory_space<vmem>> -> memref<32x128xf32, #tpu.memory_space<vmem>>
    %dma_start3A_48 = arith.constant 0 : i32
    %dma_start3A_49 = tpu.memref_slice %arg4[%dma_start3A_48, %multiple_of3A_43] : memref<32x1000000xf32, #tpu.memory_space<hbm>> -> memref<32x128xf32, #tpu.memory_space<hbm>>
    %dma_start3A_50 = tpu.memref_slice %arg14[%dma_start3A_44] : memref<10x!tpu.dma_semaphore, #tpu.memory_space<semaphore_mem>> -> memref<1x!tpu.dma_semaphore, #tpu.memory_space<semaphore_mem>>
    %dma_start3A_51 = tpu.memref_squeeze %dma_start3A_50 : memref<1x!tpu.dma_semaphore, #tpu.memory_space<semaphore_mem>> -> memref<!tpu.dma_semaphore, #tpu.memory_space<semaphore_mem>>
    %dma_start3A_52 = arith.constant 32 : i32
    %dma_start3A_53 = arith.constant 0 : i32
    %dma_start3A_54 = tpu.memref_slice %arg9[%dma_start3A_52, %dma_start3A_53] : memref<320x128xf32, #tpu.memory_space<vmem>> -> memref<32x128xf32, #tpu.memory_space<vmem>>
    %dma_start3A_55 = arith.constant 0 : i32
    %dma_start3A_56 = tpu.memref_slice %arg4[%dma_start3A_55, %multiple_of3A_43] : memref<32x1000000xf32, #tpu.memory_space<hbm>> -> memref<32x128xf32, #tpu.memory_space<hbm>>
    tpu.enqueue_dma source(%dma_start3A_56 : memref<32x128xf32, #tpu.memory_space<hbm>>) target(%dma_start3A_54 : memref<32x128xf32, #tpu.memory_space<vmem>>) target_semaphore(%dma_start3A_51 : memref<!tpu.dma_semaphore, #tpu.memory_space<semaphore_mem>>)
    %get3A_57 = arith.constant 1 : index
    %get3A_58 = tpu.vector_load %arg8[%get3A_57] {strides = array<i32>} : memref<528xi32, #tpu.memory_space<vmem>>, vector<16xi32>,
    %slice3A_59 = vector.extract_strided_slice %get3A_58 {offsets = [0], sizes = [1], strides = [1]} : vector<16xi32> to vector<1xi32>
    %squeeze3A_60 = vector.extract %slice3A_59[0] : i32 from vector<1xi32>
    %and3A_61 = arith.constant -128 : i32
    %and3A_62 = arith.andi %squeeze3A_60, %and3A_61 : i32
    %multiple_of3A_63 = tpu.assume_multiple %and3A_62, 128 : i32
    %dma_start3A_64 = arith.constant 1 : i32
    %dma_start3A_65 = arith.constant 32 : i32
    %dma_start3A_66 = arith.constant 0 : i32
    %dma_start3A_67 = tpu.memref_slice %arg10[%dma_start3A_65, %dma_start3A_66] : memref<320x128xf32, #tpu.memory_space<vmem>> -> memref<32x128xf32, #tpu.memory_space<vmem>>
    %dma_start3A_68 = arith.constant 0 : i32
    %dma_start3A_69 = tpu.memref_slice %arg5[%dma_start3A_68, %multiple_of3A_63] : memref<32x1000000xf32, #tpu.memory_space<hbm>> -> memref<32x128xf32, #tpu.memory_space<hbm>>
    %dma_start3A_70 = tpu.memref_slice %arg15[%dma_start3A_64] : memref<10x!tpu.dma_semaphore, #tpu.memory_space<semaphore_mem>> -> memref<1x!tpu.dma_semaphore, #tpu.memory_space<semaphore_mem>>
    %dma_start3A_71 = tpu.memref_squeeze %dma_start3A_70 : memref<1x!tpu.dma_semaphore, #tpu.memory_space<semaphore_mem>> -> memref<!tpu.dma_semaphore, #tpu.memory_space<semaphore_mem>>
    %dma_start3A_72 = arith.constant 32 : i32
    %dma_start3A_73 = arith.constant 0 : i32
    %dma_start3A_74 = tpu.memref_slice %arg10[%dma_start3A_72, %dma_start3A_73] : memref<320x128xf32, #tpu.memory_space<vmem>> -> memref<32x128xf32, #tpu.memory_space<vmem>>
    %dma_start3A_75 = arith.constant 0 : i32
    %dma_start3A_76 = tpu.memref_slice %arg5[%dma_start3A_75, %multiple_of3A_63] : memref<32x1000000xf32, #tpu.memory_space<hbm>> -> memref<32x128xf32, #tpu.memory_space<hbm>>
    tpu.enqueue_dma source(%dma_start3A_76 : memref<32x128xf32, #tpu.memory_space<hbm>>) target(%dma_start3A_74 : memref<32x128xf32, #tpu.memory_space<vmem>>) target_semaphore(%dma_start3A_71 : memref<!tpu.dma_semaphore, #tpu.memory_space<semaphore_mem>>)
    %get3A_77 = arith.constant 2 : index
    %get3A_78 = tpu.vector_load %arg7[%get3A_77] {strides = array<i32>} : memref<528xi32, #tpu.memory_space<vmem>>, vector<16xi32>,
    %slice3A_79 = vector.extract_strided_slice %get3A_78 {offsets = [0], sizes = [1], strides = [1]} : vector<16xi32> to vector<1xi32>
    %squeeze3A_80 = vector.extract %slice3A_79[0] : i32 from vector<1xi32>
    %and3A_81 = arith.constant -128 : i32
    %and3A_82 = arith.andi %squeeze3A_80, %and3A_81 : i32
    %multiple_of3A_83 = tpu.assume_multiple %and3A_82, 128 : i32
    %dma_start3A_84 = arith.constant 2 : i32
    %dma_start3A_85 = arith.constant 64 : i32
    %dma_start3A_86 = arith.constant 0 : i32
    %dma_start3A_87 = tpu.memref_slice %arg9[%dma_start3A_85, %dma_start3A_86] : memref<320x128xf32, #tpu.memory_space<vmem>> -> memref<32x128xf32, #tpu.memory_space<vmem>>
    %dma_start3A_88 = arith.constant 0 : i32
    %dma_start3A_89 = tpu.memref_slice %arg4[%dma_start3A_88, %multiple_of3A_83] : memref<32x1000000xf32, #tpu.memory_space<hbm>> -> memref<32x128xf32, #tpu.memory_space<hbm>>
    %dma_start3A_90 = tpu.memref_slice %arg14[%dma_start3A_84] : memref<10x!tpu.dma_semaphore, #tpu.memory_space<semaphore_mem>> -> memref<1x!tpu.dma_semaphore, #tpu.memory_space<semaphore_mem>>
    %dma_start3A_91 = tpu.memref_squeeze %dma_start3A_90 : memref<1x!tpu.dma_semaphore, #tpu.memory_space<semaphore_mem>> -> memref<!tpu.dma_semaphore, #tpu.memory_space<semaphore_mem>>
    %dma_start3A_92 = arith.constant 64 : i32
    %dma_start3A_93 = arith.constant 0 : i32
    %dma_start3A_94 = tpu.memref_slice %arg9[%dma_start3A_92, %dma_start3A_93] : memref<320x128xf32, #tpu.memory_space<vmem>> -> memref<32x128xf32, #tpu.memory_space<vmem>>
    %dma_start3A_95 = arith.constant 0 : i32
    %dma_start3A_96 = tpu.memref_slice %arg4[%dma_start3A_95, %multiple_of3A_83] : memref<32x1000000xf32, #tpu.memory_space<hbm>> -> memref<32x128xf32, #tpu.memory_space<hbm>>
    tpu.enqueue_dma source(%dma_start3A_96 : memref<32x128xf32, #tpu.memory_space<hbm>>) target(%dma_start3A_94 : memref<32x128xf32, #tpu.memory_space<vmem>>) target_semaphore(%dma_start3A_91 : memref<!tpu.dma_semaphore, #tpu.memory_space<semaphore_mem>>)
    %get3A_97 = arith.constant 2 : index
    %get3A_98 = tpu.vector_load %arg8[%get3A_97] {strides = array<i32>} : memref<528xi32, #tpu.memory_space<vmem>>, vector<16xi32>,
    %slice3A_99 = vector.extract_strided_slice %get3A_98 {offsets = [0], sizes = [1], strides = [1]} : vector<16xi32> to vector<1xi32>
    %squeeze3A_100 = vector.extract %slice3A_99[0] : i32 from vector<1xi32>
    %and3A_101 = arith.constant -128 : i32
    %and3A_102 = arith.andi %squeeze3A_100, %and3A_101 : i32
    %multiple_of3A_103 = tpu.assume_multiple %and3A_102, 128 : i32
    %dma_start3A_104 = arith.constant 2 : i32
    %dma_start3A_105 = arith.constant 64 : i32
    %dma_start3A_106 = arith.constant 0 : i32
    %dma_start3A_107 = tpu.memref_slice %arg10[%dma_start3A_105, %dma_start3A_106] : memref<320x128xf32, #tpu.memory_space<vmem>> -> memref<32x128xf32, #tpu.memory_space<vmem>>
    %dma_start3A_108 = arith.constant 0 : i32
    %dma_start3A_109 = tpu.memref_slice %arg5[%dma_start3A_108, %multiple_of3A_103] : memref<32x1000000xf32, #tpu.memory_space<hbm>> -> memref<32x128xf32, #tpu.memory_space<hbm>>
    %dma_start3A_110 = tpu.memref_slice %arg15[%dma_start3A_104] : memref<10x!tpu.dma_semaphore, #tpu.memory_space<semaphore_mem>> -> memref<1x!tpu.dma_semaphore, #tpu.memory_space<semaphore_mem>>
    %dma_start3A_111 = tpu.memref_squeeze %dma_start3A_110 : memref<1x!tpu.dma_semaphore, #tpu.memory_space<semaphore_mem>> -> memref<!tpu.dma_semaphore, #tpu.memory_space<semaphore_mem>>
    %dma_start3A_112 = arith.constant 64 : i32
    %dma_start3A_113 = arith.constant 0 : i32
    %dma_start3A_114 = tpu.memref_slice %arg10[%dma_start3A_112, %dma_start3A_113] : memref<320x128xf32, #tpu.memory_space<vmem>> -> memref<32x128xf32, #tpu.memory_space<vmem>>
    %dma_start3A_115 = arith.constant 0 : i32
    %dma_start3A_116 = tpu.memref_slice %arg5[%dma_start3A_115, %multiple_of3A_103] : memref<32x1000000xf32, #tpu.memory_space<hbm>> -> memref<32x128xf32, #tpu.memory_space<hbm>>
    tpu.enqueue_dma source(%dma_start3A_116 : memref<32x128xf32, #tpu.memory_space<hbm>>) target(%dma_start3A_114 : memref<32x128xf32, #tpu.memory_space<vmem>>) target_semaphore(%dma_start3A_111 : memref<!tpu.dma_semaphore, #tpu.memory_space<semaphore_mem>>)
    %get3A_117 = arith.constant 3 : index
    %get3A_118 = tpu.vector_load %arg7[%get3A_117] {strides = array<i32>} : memref<528xi32, #tpu.memory_space<vmem>>, vector<16xi32>,
    %slice3A_119 = vector.extract_strided_slice %get3A_118 {offsets = [0], sizes = [1], strides = [1]} : vector<16xi32> to vector<1xi32>
    %squeeze3A_120 = vector.extract %slice3A_119[0] : i32 from vector<1xi32>
    %and3A_121 = arith.constant -128 : i32
    %and3A_122 = arith.andi %squeeze3A_120, %and3A_121 : i32
    %multiple_of3A_123 = tpu.assume_multiple %and3A_122, 128 : i32
    %dma_start3A_124 = arith.constant 3 : i32
    %dma_start3A_125 = arith.constant 96 : i32
    %dma_start3A_126 = arith.constant 0 : i32
    %dma_start3A_127 = tpu.memref_slice %arg9[%dma_start3A_125, %dma_start3A_126] : memref<320x128xf32, #tpu.memory_space<vmem>> -> memref<32x128xf32, #tpu.memory_space<vmem>>
    %dma_start3A_128 = arith.constant 0 : i32
    %dma_start3A_129 = tpu.memref_slice %arg4[%dma_start3A_128, %multiple_of3A_123] : memref<32x1000000xf32, #tpu.memory_space<hbm>> -> memref<32x128xf32, #tpu.memory_space<hbm>>
    %dma_start3A_130 = tpu.memref_slice %arg14[%dma_start3A_124] : memref<10x!tpu.dma_semaphore, #tpu.memory_space<semaphore_mem>> -> memref<1x!tpu.dma_semaphore, #tpu.memory_space<semaphore_mem>>
    %dma_start3A_131 = tpu.memref_squeeze %dma_start3A_130 : memref<1x!tpu.dma_semaphore, #tpu.memory_space<semaphore_mem>> -> memref<!tpu.dma_semaphore, #tpu.memory_space<semaphore_mem>>
    %dma_start3A_132 = arith.constant 96 : i32
    %dma_start3A_133 = arith.constant 0 : i32
    %dma_start3A_134 = tpu.memref_slice %arg9[%dma_start3A_132, %dma_start3A_133] : memref<320x128xf32, #tpu.memory_space<vmem>> -> memref<32x128xf32, #tpu.memory_space<vmem>>
    %dma_start3A_135 = arith.constant 0 : i32
    %dma_start3A_136 = tpu.memref_slice %arg4[%dma_start3A_135, %multiple_of3A_123] : memref<32x1000000xf32, #tpu.memory_space<hbm>> -> memref<32x128xf32, #tpu.memory_space<hbm>>
    tpu.enqueue_dma source(%dma_start3A_136 : memref<32x128xf32, #tpu.memory_space<hbm>>) target(%dma_start3A_134 : memref<32x128xf32, #tpu.memory_space<vmem>>) target_semaphore(%dma_start3A_131 : memref<!tpu.dma_semaphore, #tpu.memory_space<semaphore_mem>>)
    %get3A_137 = arith.constant 3 : index
    %get3A_138 = tpu.vector_load %arg8[%get3A_137] {strides = array<i32>} : memref<528xi32, #tpu.memory_space<vmem>>, vector<16xi32>,
    %slice3A_139 = vector.extract_strided_slice %get3A_138 {offsets = [0], sizes = [1], strides = [1]} : vector<16xi32> to vector<1xi32>
    %squeeze3A_140 = vector.extract %slice3A_139[0] : i32 from vector<1xi32>
    %and3A_141 = arith.constant -128 : i32
    %and3A_142 = arith.andi %squeeze3A_140, %and3A_141 : i32
    %multiple_of3A_143 = tpu.assume_multiple %and3A_142, 128 : i32
    %dma_start3A_144 = arith.constant 3 : i32
    %dma_start3A_145 = arith.constant 96 : i32
    %dma_start3A_146 = arith.constant 0 : i32
    %dma_start3A_147 = tpu.memref_slice %arg10[%dma_start3A_145, %dma_start3A_146] : memref<320x128xf32, #tpu.memory_space<vmem>> -> memref<32x128xf32, #tpu.memory_space<vmem>>
    %dma_start3A_148 = arith.constant 0 : i32
    %dma_start3A_149 = tpu.memref_slice %arg5[%dma_start3A_148, %multiple_of3A_143] : memref<32x1000000xf32, #tpu.memory_space<hbm>> -> memref<32x128xf32, #tpu.memory_space<hbm>>
    %dma_start3A_150 = tpu.memref_slice %arg15[%dma_start3A_144] : memref<10x!tpu.dma_semaphore, #tpu.memory_space<semaphore_mem>> -> memref<1x!tpu.dma_semaphore, #tpu.memory_space<semaphore_mem>>
    %dma_start3A_151 = tpu.memref_squeeze %dma_start3A_150 : memref<1x!tpu.dma_semaphore, #tpu.memory_space<semaphore_mem>> -> memref<!tpu.dma_semaphore, #tpu.memory_space<semaphore_mem>>
    %dma_start3A_152 = arith.constant 96 : i32
    %dma_start3A_153 = arith.constant 0 : i32
    %dma_start3A_154 = tpu.memref_slice %arg10[%dma_start3A_152, %dma_start3A_153] : memref<320x128xf32, #tpu.memory_space<vmem>> -> memref<32x128xf32, #tpu.memory_space<vmem>>
    %dma_start3A_155 = arith.constant 0 : i32
    %dma_start3A_156 = tpu.memref_slice %arg5[%dma_start3A_155, %multiple_of3A_143] : memref<32x1000000xf32, #tpu.memory_space<hbm>> -> memref<32x128xf32, #tpu.memory_space<hbm>>
    tpu.enqueue_dma source(%dma_start3A_156 : memref<32x128xf32, #tpu.memory_space<hbm>>) target(%dma_start3A_154 : memref<32x128xf32, #tpu.memory_space<vmem>>) target_semaphore(%dma_start3A_151 : memref<!tpu.dma_semaphore, #tpu.memory_space<semaphore_mem>>)
    %get3A_157 = arith.constant 4 : index
    %get3A_158 = tpu.vector_load %arg7[%get3A_157] {strides = array<i32>} : memref<528xi32, #tpu.memory_space<vmem>>, vector<16xi32>,
    %slice3A_159 = vector.extract_strided_slice %get3A_158 {offsets = [0], sizes = [1], strides = [1]} : vector<16xi32> to vector<1xi32>
    %squeeze3A_160 = vector.extract %slice3A_159[0] : i32 from vector<1xi32>
    %and3A_161 = arith.constant -128 : i32
    %and3A_162 = arith.andi %squeeze3A_160, %and3A_161 : i32
    %multiple_of3A_163 = tpu.assume_multiple %and3A_162, 128 : i32
    %dma_start3A_164 = arith.constant 4 : i32
    %dma_start3A_165 = arith.constant 128 : i32
    %dma_start3A_166 = arith.constant 0 : i32
    %dma_start3A_167 = tpu.memref_slice %arg9[%dma_start3A_165, %dma_start3A_166] : memref<320x128xf32, #tpu.memory_space<vmem>> -> memref<32x128xf32, #tpu.memory_space<vmem>>
    %dma_start3A_168 = arith.constant 0 : i32
    %dma_start3A_169 = tpu.memref_slice %arg4[%dma_start3A_168, %multiple_of3A_163] : memref<32x1000000xf32, #tpu.memory_space<hbm>> -> memref<32x128xf32, #tpu.memory_space<hbm>>
    %dma_start3A_170 = tpu.memref_slice %arg14[%dma_start3A_164] : memref<10x!tpu.dma_semaphore, #tpu.memory_space<semaphore_mem>> -> memref<1x!tpu.dma_semaphore, #tpu.memory_space<semaphore_mem>>
    %dma_start3A_171 = tpu.memref_squeeze %dma_start3A_170 : memref<1x!tpu.dma_semaphore, #tpu.memory_space<semaphore_mem>> -> memref<!tpu.dma_semaphore, #tpu.memory_space<semaphore_mem>>
    %dma_start3A_172 = arith.constant 128 : i32
    %dma_start3A_173 = arith.constant 0 : i32
    %dma_start3A_174 = tpu.memref_slice %arg9[%dma_start3A_172, %dma_start3A_173] : memref<320x128xf32, #tpu.memory_space<vmem>> -> memref<32x128xf32, #tpu.memory_space<vmem>>
    %dma_start3A_175 = arith.constant 0 : i32
    %dma_start3A_176 = tpu.memref_slice %arg4[%dma_start3A_175, %multiple_of3A_163] : memref<32x1000000xf32, #tpu.memory_space<hbm>> -> memref<32x128xf32, #tpu.memory_space<hbm>>
    tpu.enqueue_dma source(%dma_start3A_176 : memref<32x128xf32, #tpu.memory_space<hbm>>) target(%dma_start3A_174 : memref<32x128xf32, #tpu.memory_space<vmem>>) target_semaphore(%dma_start3A_171 : memref<!tpu.dma_semaphore, #tpu.memory_space<semaphore_mem>>)
    %get3A_177 = arith.constant 4 : index
    %get3A_178 = tpu.vector_load %arg8[%get3A_177] {strides = array<i32>} : memref<528xi32, #tpu.memory_space<vmem>>, vector<16xi32>,
    %slice3A_179 = vector.extract_strided_slice %get3A_178 {offsets = [0], sizes = [1], strides = [1]} : vector<16xi32> to vector<1xi32>
    %squeeze3A_180 = vector.extract %slice3A_179[0] : i32 from vector<1xi32>
    %and3A_181 = arith.constant -128 : i32
    %and3A_182 = arith.andi %squeeze3A_180, %and3A_181 : i32
    %multiple_of3A_183 = tpu.assume_multiple %and3A_182, 128 : i32
    %dma_start3A_184 = arith.constant 4 : i32
    %dma_start3A_185 = arith.constant 128 : i32
    %dma_start3A_186 = arith.constant 0 : i32
    %dma_start3A_187 = tpu.memref_slice %arg10[%dma_start3A_185, %dma_start3A_186] : memref<320x128xf32, #tpu.memory_space<vmem>> -> memref<32x128xf32, #tpu.memory_space<vmem>>
    %dma_start3A_188 = arith.constant 0 : i32
    %dma_start3A_189 = tpu.memref_slice %arg5[%dma_start3A_188, %multiple_of3A_183] : memref<32x1000000xf32, #tpu.memory_space<hbm>> -> memref<32x128xf32, #tpu.memory_space<hbm>>
    %dma_start3A_190 = tpu.memref_slice %arg15[%dma_start3A_184] : memref<10x!tpu.dma_semaphore, #tpu.memory_space<semaphore_mem>> -> memref<1x!tpu.dma_semaphore, #tpu.memory_space<semaphore_mem>>
    %dma_start3A_191 = tpu.memref_squeeze %dma_start3A_190 : memref<1x!tpu.dma_semaphore, #tpu.memory_space<semaphore_mem>> -> memref<!tpu.dma_semaphore, #tpu.memory_space<semaphore_mem>>
    %dma_start3A_192 = arith.constant 128 : i32
    %dma_start3A_193 = arith.constant 0 : i32
    %dma_start3A_194 = tpu.memref_slice %arg10[%dma_start3A_192, %dma_start3A_193] : memref<320x128xf32, #tpu.memory_space<vmem>> -> memref<32x128xf32, #tpu.memory_space<vmem>>
    %dma_start3A_195 = arith.constant 0 : i32
    %dma_start3A_196 = tpu.memref_slice %arg5[%dma_start3A_195, %multiple_of3A_183] : memref<32x1000000xf32, #tpu.memory_space<hbm>> -> memref<32x128xf32, #tpu.memory_space<hbm>>
    tpu.enqueue_dma source(%dma_start3A_196 : memref<32x128xf32, #tpu.memory_space<hbm>>) target(%dma_start3A_194 : memref<32x128xf32, #tpu.memory_space<vmem>>) target_semaphore(%dma_start3A_191 : memref<!tpu.dma_semaphore, #tpu.memory_space<semaphore_mem>>)
    %get3A_197 = arith.constant 5 : index
    %get3A_198 = tpu.vector_load %arg7[%get3A_197] {strides = array<i32>} : memref<528xi32, #tpu.memory_space<vmem>>, vector<16xi32>,
    %slice3A_199 = vector.extract_strided_slice %get3A_198 {offsets = [0], sizes = [1], strides = [1]} : vector<16xi32> to vector<1xi32>
    %squeeze3A_200 = vector.extract %slice3A_199[0] : i32 from vector<1xi32>
    %and3A_201 = arith.constant -128 : i32
    %and3A_202 = arith.andi %squeeze3A_200, %and3A_201 : i32
    %multiple_of3A_203 = tpu.assume_multiple %and3A_202, 128 : i32
    %dma_start3A_204 = arith.constant 5 : i32
    %dma_start3A_205 = arith.constant 160 : i32
    %dma_start3A_206 = arith.constant 0 : i32
    %dma_start3A_207 = tpu.memref_slice %arg9[%dma_start3A_205, %dma_start3A_206] : memref<320x128xf32, #tpu.memory_space<vmem>> -> memref<32x128xf32, #tpu.memory_space<vmem>>
    %dma_start3A_208 = arith.constant 0 : i32
    %dma_start3A_209 = tpu.memref_slice %arg4[%dma_start3A_208, %multiple_of3A_203] : memref<32x1000000xf32, #tpu.memory_space<hbm>> -> memref<32x128xf32, #tpu.memory_space<hbm>>
    %dma_start3A_210 = tpu.memref_slice %arg14[%dma_start3A_204] : memref<10x!tpu.dma_semaphore, #tpu.memory_space<semaphore_mem>> -> memref<1x!tpu.dma_semaphore, #tpu.memory_space<semaphore_mem>>
    %dma_start3A_211 = tpu.memref_squeeze %dma_start3A_210 : memref<1x!tpu.dma_semaphore, #tpu.memory_space<semaphore_mem>> -> memref<!tpu.dma_semaphore, #tpu.memory_space<semaphore_mem>>
    %dma_start3A_212 = arith.constant 160 : i32
    %dma_start3A_213 = arith.constant 0 : i32
    %dma_start3A_214 = tpu.memref_slice %arg9[%dma_start3A_212, %dma_start3A_213] : memref<320x128xf32, #tpu.memory_space<vmem>> -> memref<32x128xf32, #tpu.memory_space<vmem>>
    %dma_start3A_215 = arith.constant 0 : i32
    %dma_start3A_216 = tpu.memref_slice %arg4[%dma_start3A_215, %multiple_of3A_203] : memref<32x1000000xf32, #tpu.memory_space<hbm>> -> memref<32x128xf32, #tpu.memory_space<hbm>>
    tpu.enqueue_dma source(%dma_start3A_216 : memref<32x128xf32, #tpu.memory_space<hbm>>) target(%dma_start3A_214 : memref<32x128xf32, #tpu.memory_space<vmem>>) target_semaphore(%dma_start3A_211 : memref<!tpu.dma_semaphore, #tpu.memory_space<semaphore_mem>>)
    %get3A_217 = arith.constant 5 : index
    %get3A_218 = tpu.vector_load %arg8[%get3A_217] {strides = array<i32>} : memref<528xi32, #tpu.memory_space<vmem>>, vector<16xi32>,
    %slice3A_219 = vector.extract_strided_slice %get3A_218 {offsets = [0], sizes = [1], strides = [1]} : vector<16xi32> to vector<1xi32>
    %squeeze3A_220 = vector.extract %slice3A_219[0] : i32 from vector<1xi32>
    %and3A_221 = arith.constant -128 : i32
    %and3A_222 = arith.andi %squeeze3A_220, %and3A_221 : i32
    %multiple_of3A_223 = tpu.assume_multiple %and3A_222, 128 : i32
    %dma_start3A_224 = arith.constant 5 : i32
    %dma_start3A_225 = arith.constant 160 : i32
    %dma_start3A_226 = arith.constant 0 : i32
    %dma_start3A_227 = tpu.memref_slice %arg10[%dma_start3A_225, %dma_start3A_226] : memref<320x128xf32, #tpu.memory_space<vmem>> -> memref<32x128xf32, #tpu.memory_space<vmem>>
    %dma_start3A_228 = arith.constant 0 : i32
    %dma_start3A_229 = tpu.memref_slice %arg5[%dma_start3A_228, %multiple_of3A_223] : memref<32x1000000xf32, #tpu.memory_space<hbm>> -> memref<32x128xf32, #tpu.memory_space<hbm>>
    %dma_start3A_230 = tpu.memref_slice %arg15[%dma_start3A_224] : memref<10x!tpu.dma_semaphore, #tpu.memory_space<semaphore_mem>> -> memref<1x!tpu.dma_semaphore, #tpu.memory_space<semaphore_mem>>
    %dma_start3A_231 = tpu.memref_squeeze %dma_start3A_230 : memref<1x!tpu.dma_semaphore, #tpu.memory_space<semaphore_mem>> -> memref<!tpu.dma_semaphore, #tpu.memory_space<semaphore_mem>>
    %dma_start3A_232 = arith.constant 160 : i32
    %dma_start3A_233 = arith.constant 0 : i32
    %dma_start3A_234 = tpu.memref_slice %arg10[%dma_start3A_232, %dma_start3A_233] : memref<320x128xf32, #tpu.memory_space<vmem>> -> memref<32x128xf32, #tpu.memory_space<vmem>>
    %dma_start3A_235 = arith.constant 0 : i32
    %dma_start3A_236 = tpu.memref_slice %arg5[%dma_start3A_235, %multiple_of3A_223] : memref<32x1000000xf32, #tpu.memory_space<hbm>> -> memref<32x128xf32, #tpu.memory_space<hbm>>
    tpu.enqueue_dma source(%dma_start3A_236 : memref<32x128xf32, #tpu.memory_space<hbm>>) target(%dma_start3A_234 : memref<32x128xf32, #tpu.memory_space<vmem>>) target_semaphore(%dma_start3A_231 : memref<!tpu.dma_semaphore, #tpu.memory_space<semaphore_mem>>)
    %get3A_237 = arith.constant 6 : index
    %get3A_238 = tpu.vector_load %arg7[%get3A_237] {strides = array<i32>} : memref<528xi32, #tpu.memory_space<vmem>>, vector<16xi32>,
    %slice3A_239 = vector.extract_strided_slice %get3A_238 {offsets = [0], sizes = [1], strides = [1]} : vector<16xi32> to vector<1xi32>
    %squeeze3A_240 = vector.extract %slice3A_239[0] : i32 from vector<1xi32>
    %and3A_241 = arith.constant -128 : i32
    %and3A_242 = arith.andi %squeeze3A_240, %and3A_241 : i32
    %multiple_of3A_243 = tpu.assume_multiple %and3A_242, 128 : i32
    %dma_start3A_244 = arith.constant 6 : i32
    %dma_start3A_245 = arith.constant 192 : i32
    %dma_start3A_246 = arith.constant 0 : i32
    %dma_start3A_247 = tpu.memref_slice %arg9[%dma_start3A_245, %dma_start3A_246] : memref<320x128xf32, #tpu.memory_space<vmem>> -> memref<32x128xf32, #tpu.memory_space<vmem>>
    %dma_start3A_248 = arith.constant 0 : i32
    %dma_start3A_249 = tpu.memref_slice %arg4[%dma_start3A_248, %multiple_of3A_243] : memref<32x1000000xf32, #tpu.memory_space<hbm>> -> memref<32x128xf32, #tpu.memory_space<hbm>>
    %dma_start3A_250 = tpu.memref_slice %arg14[%dma_start3A_244] : memref<10x!tpu.dma_semaphore, #tpu.memory_space<semaphore_mem>> -> memref<1x!tpu.dma_semaphore, #tpu.memory_space<semaphore_mem>>
    %dma_start3A_251 = tpu.memref_squeeze %dma_start3A_250 : memref<1x!tpu.dma_semaphore, #tpu.memory_space<semaphore_mem>> -> memref<!tpu.dma_semaphore, #tpu.memory_space<semaphore_mem>>
    %dma_start3A_252 = arith.constant 192 : i32
    %dma_start3A_253 = arith.constant 0 : i32
    %dma_start3A_254 = tpu.memref_slice %arg9[%dma_start3A_252, %dma_start3A_253] : memref<320x128xf32, #tpu.memory_space<vmem>> -> memref<32x128xf32, #tpu.memory_space<vmem>>
    %dma_start3A_255 = arith.constant 0 : i32
    %dma_start3A_256 = tpu.memref_slice %arg4[%dma_start3A_255, %multiple_of3A_243] : memref<32x1000000xf32, #tpu.memory_space<hbm>> -> memref<32x128xf32, #tpu.memory_space<hbm>>
    tpu.enqueue_dma source(%dma_start3A_256 : memref<32x128xf32, #tpu.memory_space<hbm>>) target(%dma_start3A_254 : memref<32x128xf32, #tpu.memory_space<vmem>>) target_semaphore(%dma_start3A_251 : memref<!tpu.dma_semaphore, #tpu.memory_space<semaphore_mem>>)
    %get3A_257 = arith.constant 6 : index
    %get3A_258 = tpu.vector_load %arg8[%get3A_257] {strides = array<i32>} : memref<528xi32, #tpu.memory_space<vmem>>, vector<16xi32>,
    %slice3A_259 = vector.extract_strided_slice %get3A_258 {offsets = [0], sizes = [1], strides = [1]} : vector<16xi32> to vector<1xi32>
    %squeeze3A_260 = vector.extract %slice3A_259[0] : i32 from vector<1xi32>
    %and3A_261 = arith.constant -128 : i32
    %and3A_262 = arith.andi %squeeze3A_260, %and3A_261 : i32
    %multiple_of3A_263 = tpu.assume_multiple %and3A_262, 128 : i32
    %dma_start3A_264 = arith.constant 6 : i32
    %dma_start3A_265 = arith.constant 192 : i32
    %dma_start3A_266 = arith.constant 0 : i32
    %dma_start3A_267 = tpu.memref_slice %arg10[%dma_start3A_265, %dma_start3A_266] : memref<320x128xf32, #tpu.memory_space<vmem>> -> memref<32x128xf32, #tpu.memory_space<vmem>>
    %dma_start3A_268 = arith.constant 0 : i32
    %dma_start3A_269 = tpu.memref_slice %arg5[%dma_start3A_268, %multiple_of3A_263] : memref<32x1000000xf32, #tpu.memory_space<hbm>> -> memref<32x128xf32, #tpu.memory_space<hbm>>
    %dma_start3A_270 = tpu.memref_slice %arg15[%dma_start3A_264] : memref<10x!tpu.dma_semaphore, #tpu.memory_space<semaphore_mem>> -> memref<1x!tpu.dma_semaphore, #tpu.memory_space<semaphore_mem>>
    %dma_start3A_271 = tpu.memref_squeeze %dma_start3A_270 : memref<1x!tpu.dma_semaphore, #tpu.memory_space<semaphore_mem>> -> memref<!tpu.dma_semaphore, #tpu.memory_space<semaphore_mem>>
    %dma_start3A_272 = arith.constant 192 : i32
    %dma_start3A_273 = arith.constant 0 : i32
    %dma_start3A_274 = tpu.memref_slice %arg10[%dma_start3A_272, %dma_start3A_273] : memref<320x128xf32, #tpu.memory_space<vmem>> -> memref<32x128xf32, #tpu.memory_space<vmem>>
    %dma_start3A_275 = arith.constant 0 : i32
    %dma_start3A_276 = tpu.memref_slice %arg5[%dma_start3A_275, %multiple_of3A_263] : memref<32x1000000xf32, #tpu.memory_space<hbm>> -> memref<32x128xf32, #tpu.memory_space<hbm>>
    tpu.enqueue_dma source(%dma_start3A_276 : memref<32x128xf32, #tpu.memory_space<hbm>>) target(%dma_start3A_274 : memref<32x128xf32, #tpu.memory_space<vmem>>) target_semaphore(%dma_start3A_271 : memref<!tpu.dma_semaphore, #tpu.memory_space<semaphore_mem>>)
    %scan3A = arith.constant 0 : i32
    %scan3A_277 = arith.constant 0 : i32
    %scan3A_278 = arith.constant 512 : i32
    %scan3A_279 = arith.addi %scan3A_277, %scan3A_278 : i32
    %scan3A_280 = arith.constant 1 : i32
    scf.for %scan3A_288 = %scan3A_277 to %scan3A_279 step %scan3A_280  : i32 {
      %rem3A = arith.constant 10 : i32
      %rem3A_289 = arith.remsi %scan3A_288, %rem3A : i32
      %get3A_290 = arith.index_cast %scan3A_288 : i32 to index
      %get3A_291 = tpu.vector_load %arg7[%get3A_290] {strides = array<i32>} : memref<528xi32, #tpu.memory_space<vmem>>, vector<16xi32>,
      %slice3A_292 = vector.extract_strided_slice %get3A_291 {offsets = [0], sizes = [1], strides = [1]} : vector<16xi32> to vector<1xi32>
      %squeeze3A_293 = vector.extract %slice3A_292[0] : i32 from vector<1xi32>
      %get3A_294 = arith.index_cast %scan3A_288 : i32 to index
      %get3A_295 = tpu.vector_load %arg8[%get3A_294] {strides = array<i32>} : memref<528xi32, #tpu.memory_space<vmem>>, vector<16xi32>,
      %slice3A_296 = vector.extract_strided_slice %get3A_295 {offsets = [0], sizes = [1], strides = [1]} : vector<16xi32> to vector<1xi32>
      %squeeze3A_297 = vector.extract %slice3A_296[0] : i32 from vector<1xi32>
      %and3A_298 = arith.constant -128 : i32
      %and3A_299 = arith.andi %squeeze3A_293, %and3A_298 : i32
      %multiple_of3A_300 = tpu.assume_multiple %and3A_299, 128 : i32
      %mul3A_301 = arith.constant 32 : i32
      %mul3A_302 = arith.muli %rem3A_289, %mul3A_301 : i32
      %dma_wait3A = arith.constant 0 : i32
      %dma_wait3A_303 = tpu.memref_slice %arg9[%mul3A_302, %dma_wait3A] : memref<320x128xf32, #tpu.memory_space<vmem>> -> memref<32x128xf32, #tpu.memory_space<vmem>>
      %dma_wait3A_304 = arith.constant 0 : i32
      %dma_wait3A_305 = tpu.memref_slice %arg4[%dma_wait3A_304, %multiple_of3A_300] : memref<32x1000000xf32, #tpu.memory_space<hbm>> -> memref<32x128xf32, #tpu.memory_space<hbm>>
      %dma_wait3A_306 = tpu.memref_slice %arg14[%rem3A_289] : memref<10x!tpu.dma_semaphore, #tpu.memory_space<semaphore_mem>> -> memref<1x!tpu.dma_semaphore, #tpu.memory_space<semaphore_mem>>
      %dma_wait3A_307 = tpu.memref_squeeze %dma_wait3A_306 : memref<1x!tpu.dma_semaphore, #tpu.memory_space<semaphore_mem>> -> memref<!tpu.dma_semaphore, #tpu.memory_space<semaphore_mem>>
      %dma_wait3A_308 = arith.constant 0 : i32
      %dma_wait3A_309 = tpu.memref_slice %arg9[%mul3A_302, %dma_wait3A_308] : memref<320x128xf32, #tpu.memory_space<vmem>> -> memref<32x128xf32, #tpu.memory_space<vmem>>
      %dma_wait3A_310 = arith.constant 0 : i32
      %dma_wait3A_311 = tpu.memref_slice %arg4[%dma_wait3A_310, %multiple_of3A_300] : memref<32x1000000xf32, #tpu.memory_space<hbm>> -> memref<32x128xf32, #tpu.memory_space<hbm>>
      tpu.wait_dma2 semaphore(%dma_wait3A_307 : memref<!tpu.dma_semaphore, #tpu.memory_space<semaphore_mem>>) src(%dma_wait3A_311 : memref<32x128xf32, #tpu.memory_space<hbm>>) dst(%dma_wait3A_309 : memref<32x128xf32, #tpu.memory_space<vmem>>)
      %and3A_312 = arith.constant -128 : i32
      %and3A_313 = arith.andi %squeeze3A_297, %and3A_312 : i32
      %multiple_of3A_314 = tpu.assume_multiple %and3A_313, 128 : i32
      %mul3A_315 = arith.constant 32 : i32
      %mul3A_316 = arith.muli %rem3A_289, %mul3A_315 : i32
      %dma_wait3A_317 = arith.constant 0 : i32
      %dma_wait3A_318 = tpu.memref_slice %arg10[%mul3A_316, %dma_wait3A_317] : memref<320x128xf32, #tpu.memory_space<vmem>> -> memref<32x128xf32, #tpu.memory_space<vmem>>
      %dma_wait3A_319 = arith.constant 0 : i32
      %dma_wait3A_320 = tpu.memref_slice %arg5[%dma_wait3A_319, %multiple_of3A_314] : memref<32x1000000xf32, #tpu.memory_space<hbm>> -> memref<32x128xf32, #tpu.memory_space<hbm>>
      %dma_wait3A_321 = tpu.memref_slice %arg15[%rem3A_289] : memref<10x!tpu.dma_semaphore, #tpu.memory_space<semaphore_mem>> -> memref<1x!tpu.dma_semaphore, #tpu.memory_space<semaphore_mem>>
      %dma_wait3A_322 = tpu.memref_squeeze %dma_wait3A_321 : memref<1x!tpu.dma_semaphore, #tpu.memory_space<semaphore_mem>> -> memref<!tpu.dma_semaphore, #tpu.memory_space<semaphore_mem>>
      %dma_wait3A_323 = arith.constant 0 : i32
      %dma_wait3A_324 = tpu.memref_slice %arg10[%mul3A_316, %dma_wait3A_323] : memref<320x128xf32, #tpu.memory_space<vmem>> -> memref<32x128xf32, #tpu.memory_space<vmem>>
      %dma_wait3A_325 = arith.constant 0 : i32
      %dma_wait3A_326 = tpu.memref_slice %arg5[%dma_wait3A_325, %multiple_of3A_314] : memref<32x1000000xf32, #tpu.memory_space<hbm>> -> memref<32x128xf32, #tpu.memory_space<hbm>>
      tpu.wait_dma2 semaphore(%dma_wait3A_322 : memref<!tpu.dma_semaphore, #tpu.memory_space<semaphore_mem>>) src(%dma_wait3A_326 : memref<32x128xf32, #tpu.memory_space<hbm>>) dst(%dma_wait3A_324 : memref<32x128xf32, #tpu.memory_space<vmem>>)
      %and3A_327 = arith.constant 127 : i32
      %and3A_328 = arith.andi %squeeze3A_293, %and3A_327 : i32
      %mul3A_329 = arith.constant 32 : i32
      %mul3A_330 = arith.muli %rem3A_289, %mul3A_329 : i32
      %add3A_331 = vector.broadcast %mul3A_330 : i32 to vector<16xi32>
      %add3A_332 = arith.addi %add3A_331, %iota3A : vector<16xi32>
      %broadcast_in_dim3A = vector.broadcast %and3A_328 : i32 to vector<16xi32>
      %mul3A_333 = arith.constant 0 : i32
      %mul3A_334 = vector.broadcast %mul3A_333 : i32 to vector<16xi32>
      %mul3A_335 = arith.muli %iota3A, %mul3A_334 : vector<16xi32>
      %add3A_336 = arith.addi %broadcast_in_dim3A, %mul3A_335 : vector<16xi32>
      %gather3A = tpu.vector_load_idx %arg9[%add3A_332, %add3A_336] : memref<320x128xf32, #tpu.memory_space<vmem>>[vector<16xi32>, vector<16xi32>], vector<16xf32>,
      %add3A_337 = arith.constant 16 : i32
      %add3A_338 = vector.broadcast %add3A_337 : i32 to vector<16xi32>
      %add3A_339 = arith.addi %add3A_332, %add3A_338 : vector<16xi32>
      %gather3A_340 = tpu.vector_load_idx %arg9[%add3A_339, %add3A_336] : memref<320x128xf32, #tpu.memory_space<vmem>>[vector<16xi32>, vector<16xi32>], vector<16xf32>,
      %and3A_341 = arith.constant 127 : i32
      %and3A_342 = arith.andi %squeeze3A_297, %and3A_341 : i32
      %mul3A_343 = arith.constant 32 : i32
      %mul3A_344 = arith.muli %rem3A_289, %mul3A_343 : i32
      %add3A_345 = vector.broadcast %mul3A_344 : i32 to vector<16xi32>
      %add3A_346 = arith.addi %add3A_345, %iota3A : vector<16xi32>
      %broadcast_in_dim3A_347 = vector.broadcast %and3A_342 : i32 to vector<16xi32>
      %mul3A_348 = arith.constant 0 : i32
      %mul3A_349 = vector.broadcast %mul3A_348 : i32 to vector<16xi32>
      %mul3A_350 = arith.muli %iota3A, %mul3A_349 : vector<16xi32>
      %add3A_351 = arith.addi %broadcast_in_dim3A_347, %mul3A_350 : vector<16xi32>
      %gather3A_352 = tpu.vector_load_idx %arg10[%add3A_346, %add3A_351] : memref<320x128xf32, #tpu.memory_space<vmem>>[vector<16xi32>, vector<16xi32>], vector<16xf32>,
      %add3A_353 = arith.constant 16 : i32
      %add3A_354 = vector.broadcast %add3A_353 : i32 to vector<16xi32>
      %add3A_355 = arith.addi %add3A_346, %add3A_354 : vector<16xi32>
      %gather3A_356 = tpu.vector_load_idx %arg10[%add3A_355, %add3A_351] : memref<320x128xf32, #tpu.memory_space<vmem>>[vector<16xi32>, vector<16xi32>], vector<16xf32>,
      %mul3A_357 = arith.constant 32 : i32
      %mul3A_358 = arith.muli %scan3A_288, %mul3A_357 : i32
      %swap3A = arith.index_cast %mul3A_358 : i32 to index
      %swap3A_359 = tpu.vector_load %arg11[%swap3A] {strides = array<i32>} : memref<16384xf32, #tpu.memory_space<vmem>>, vector<16xf32>,
      tpu.vector_store %arg11[%swap3A], %gather3A {strides = array<i32>} : memref<16384xf32, #tpu.memory_space<vmem>>, vector<16xf32>,
      %mul3A_360 = arith.constant 32 : i32
      %mul3A_361 = arith.muli %scan3A_288, %mul3A_360 : i32
      %add3A_362 = arith.constant 16 : i32
      %add3A_363 = arith.addi %mul3A_361, %add3A_362 : i32
      %swap3A_364 = arith.index_cast %add3A_363 : i32 to index
      %swap3A_365 = tpu.vector_load %arg11[%swap3A_364] {strides = array<i32>} : memref<16384xf32, #tpu.memory_space<vmem>>, vector<16xf32>,
      tpu.vector_store %arg11[%swap3A_364], %gather3A_340 {strides = array<i32>} : memref<16384xf32, #tpu.memory_space<vmem>>, vector<16xf32>,
      %mul3A_366 = arith.constant 32 : i32
      %mul3A_367 = arith.muli %scan3A_288, %mul3A_366 : i32
      %swap3A_368 = arith.index_cast %mul3A_367 : i32 to index
      %swap3A_369 = tpu.vector_load %arg12[%swap3A_368] {strides = array<i32>} : memref<16384xf32, #tpu.memory_space<vmem>>, vector<16xf32>,
      tpu.vector_store %arg12[%swap3A_368], %gather3A_352 {strides = array<i32>} : memref<16384xf32, #tpu.memory_space<vmem>>, vector<16xf32>,
      %mul3A_370 = arith.constant 32 : i32
      %mul3A_371 = arith.muli %scan3A_288, %mul3A_370 : i32
      %add3A_372 = arith.constant 16 : i32
      %add3A_373 = arith.addi %mul3A_371, %add3A_372 : i32
      %swap3A_374 = arith.index_cast %add3A_373 : i32 to index
      %swap3A_375 = tpu.vector_load %arg12[%swap3A_374] {strides = array<i32>} : memref<16384xf32, #tpu.memory_space<vmem>>, vector<16xf32>,
      tpu.vector_store %arg12[%swap3A_374], %gather3A_356 {strides = array<i32>} : memref<16384xf32, #tpu.memory_space<vmem>>, vector<16xf32>,
      %add3A_376 = arith.constant 10 : i32
      %add3A_377 = arith.addi %scan3A_288, %add3A_376 : i32
      %sub3A = arith.constant 3 : i32
      %sub3A_378 = arith.subi %add3A_377, %sub3A : i32
      %rem3A_379 = arith.constant 10 : i32
      %rem3A_380 = arith.remsi %sub3A_378, %rem3A_379 : i32
      %lt3A = arith.constant 512 : i32
      %lt3A_381 = arith.cmpi slt, %sub3A_378, %lt3A : i32
      %convert_element_type3A = arith.extui %lt3A_381 : i1 to i32
      %cond3A = arith.constant 0 : i32
      %cond3A_382 = arith.cmpi ne, %convert_element_type3A, %cond3A : i32
      scf.if %cond3A_382 {
        %get3A_383 = arith.index_cast %sub3A_378 : i32 to index
        %get3A_384 = tpu.vector_load %arg7[%get3A_383] {strides = array<i32>} : memref<528xi32, #tpu.memory_space<vmem>>, vector<16xi32>,
        %slice3A_385 = vector.extract_strided_slice %get3A_384 {offsets = [0], sizes = [1], strides = [1]} : vector<16xi32> to vector<1xi32>
        %squeeze3A_386 = vector.extract %slice3A_385[0] : i32 from vector<1xi32>
        %and3A_387 = arith.constant -128 : i32
        %and3A_388 = arith.andi %squeeze3A_386, %and3A_387 : i32
        %multiple_of3A_389 = tpu.assume_multiple %and3A_388, 128 : i32
        %mul3A_390 = arith.constant 32 : i32
        %mul3A_391 = arith.muli %rem3A_380, %mul3A_390 : i32
        %dma_start3A_392 = arith.constant 0 : i32
        %dma_start3A_393 = tpu.memref_slice %arg9[%mul3A_391, %dma_start3A_392] : memref<320x128xf32, #tpu.memory_space<vmem>> -> memref<32x128xf32, #tpu.memory_space<vmem>>
        %dma_start3A_394 = arith.constant 0 : i32
        %dma_start3A_395 = tpu.memref_slice %arg4[%dma_start3A_394, %multiple_of3A_389] : memref<32x1000000xf32, #tpu.memory_space<hbm>> -> memref<32x128xf32, #tpu.memory_space<hbm>>
        %dma_start3A_396 = tpu.memref_slice %arg14[%rem3A_380] : memref<10x!tpu.dma_semaphore, #tpu.memory_space<semaphore_mem>> -> memref<1x!tpu.dma_semaphore, #tpu.memory_space<semaphore_mem>>
        %dma_start3A_397 = tpu.memref_squeeze %dma_start3A_396 : memref<1x!tpu.dma_semaphore, #tpu.memory_space<semaphore_mem>> -> memref<!tpu.dma_semaphore, #tpu.memory_space<semaphore_mem>>
        %dma_start3A_398 = arith.constant 0 : i32
        %dma_start3A_399 = tpu.memref_slice %arg9[%mul3A_391, %dma_start3A_398] : memref<320x128xf32, #tpu.memory_space<vmem>> -> memref<32x128xf32, #tpu.memory_space<vmem>>
        %dma_start3A_400 = arith.constant 0 : i32
        %dma_start3A_401 = tpu.memref_slice %arg4[%dma_start3A_400, %multiple_of3A_389] : memref<32x1000000xf32, #tpu.memory_space<hbm>> -> memref<32x128xf32, #tpu.memory_space<hbm>>
        tpu.enqueue_dma source(%dma_start3A_401 : memref<32x128xf32, #tpu.memory_space<hbm>>) target(%dma_start3A_399 : memref<32x128xf32, #tpu.memory_space<vmem>>) target_semaphore(%dma_start3A_397 : memref<!tpu.dma_semaphore, #tpu.memory_space<semaphore_mem>>)
        %get3A_402 = arith.index_cast %sub3A_378 : i32 to index
        %get3A_403 = tpu.vector_load %arg8[%get3A_402] {strides = array<i32>} : memref<528xi32, #tpu.memory_space<vmem>>, vector<16xi32>,
        %slice3A_404 = vector.extract_strided_slice %get3A_403 {offsets = [0], sizes = [1], strides = [1]} : vector<16xi32> to vector<1xi32>
        %squeeze3A_405 = vector.extract %slice3A_404[0] : i32 from vector<1xi32>
        %and3A_406 = arith.constant -128 : i32
        %and3A_407 = arith.andi %squeeze3A_405, %and3A_406 : i32
        %multiple_of3A_408 = tpu.assume_multiple %and3A_407, 128 : i32
        %mul3A_409 = arith.constant 32 : i32
        %mul3A_410 = arith.muli %rem3A_380, %mul3A_409 : i32
        %dma_start3A_411 = arith.constant 0 : i32
        %dma_start3A_412 = tpu.memref_slice %arg10[%mul3A_410, %dma_start3A_411] : memref<320x128xf32, #tpu.memory_space<vmem>> -> memref<32x128xf32, #tpu.memory_space<vmem>>
        %dma_start3A_413 = arith.constant 0 : i32
        %dma_start3A_414 = tpu.memref_slice %arg5[%dma_start3A_413, %multiple_of3A_408] : memref<32x1000000xf32, #tpu.memory_space<hbm>> -> memref<32x128xf32, #tpu.memory_space<hbm>>
        %dma_start3A_415 = tpu.memref_slice %arg15[%rem3A_380] : memref<10x!tpu.dma_semaphore, #tpu.memory_space<semaphore_mem>> -> memref<1x!tpu.dma_semaphore, #tpu.memory_space<semaphore_mem>>
        %dma_start3A_416 = tpu.memref_squeeze %dma_start3A_415 : memref<1x!tpu.dma_semaphore, #tpu.memory_space<semaphore_mem>> -> memref<!tpu.dma_semaphore, #tpu.memory_space<semaphore_mem>>
        %dma_start3A_417 = arith.constant 0 : i32
        %dma_start3A_418 = tpu.memref_slice %arg10[%mul3A_410, %dma_start3A_417] : memref<320x128xf32, #tpu.memory_space<vmem>> -> memref<32x128xf32, #tpu.memory_space<vmem>>
        %dma_start3A_419 = arith.constant 0 : i32
        %dma_start3A_420 = tpu.memref_slice %arg5[%dma_start3A_419, %multiple_of3A_408] : memref<32x1000000xf32, #tpu.memory_space<hbm>> -> memref<32x128xf32, #tpu.memory_space<hbm>>
        tpu.enqueue_dma source(%dma_start3A_420 : memref<32x128xf32, #tpu.memory_space<hbm>>) target(%dma_start3A_418 : memref<32x128xf32, #tpu.memory_space<vmem>>) target_semaphore(%dma_start3A_416 : memref<!tpu.dma_semaphore, #tpu.memory_space<semaphore_mem>>)
      } else {
      }
    }
    %scan3A_281 = arith.constant 512 : i32
    %scan3A_282 = arith.constant 0 : i32
    %scan3A_283 = arith.constant 0 : i32
    %scan3A_284 = arith.constant 32 : i32
    %scan3A_285 = arith.addi %scan3A_283, %scan3A_284 : i32
    %scan3A_286 = arith.constant 1 : i32
    scf.for %scan3A_288 = %scan3A_283 to %scan3A_285 step %scan3A_286  : i32 {
      %mul3A_289 = arith.constant 16 : i32
      %mul3A_290 = arith.muli %scan3A_288, %mul3A_289 : i32
      %mul3A_291 = arith.constant 32 : i32
      %mul3A_292 = arith.muli %mul3A_290, %mul3A_291 : i32
      %mul3A_293 = arith.constant 32 : i32
      %mul3A_294 = vector.broadcast %mul3A_293 : i32 to vector<16xi32>
      %mul3A_295 = arith.muli %iota3A, %mul3A_294 : vector<16xi32>
      %add3A_296 = vector.broadcast %mul3A_292 : i32 to vector<16xi32>
      %add3A_297 = arith.addi %add3A_296, %mul3A_295 : vector<16xi32>
      %broadcast_in_dim3A = arith.constant 0.000000e+00 : f32
      %broadcast_in_dim3A_298 = vector.broadcast %broadcast_in_dim3A : f32 to vector<16xf32>
      %add3A_299 = arith.constant 0 : i32
      %add3A_300 = vector.broadcast %add3A_299 : i32 to vector<16xi32>
      %add3A_301 = arith.addi %iota3A, %add3A_300 : vector<16xi32>
      %and3A_302 = arith.constant 31 : i32
      %and3A_303 = vector.broadcast %and3A_302 : i32 to vector<16xi32>
      %and3A_304 = arith.andi %add3A_301, %and3A_303 : vector<16xi32>
      %add3A_305 = arith.addi %add3A_297, %and3A_304 : vector<16xi32>
      %gather3A = tpu.vector_load_idx %arg11[%add3A_305] : memref<16384xf32, #tpu.memory_space<vmem>>[vector<16xi32>], vector<16xf32>,
      %gather3A_306 = tpu.vector_load_idx %arg12[%add3A_305] : memref<16384xf32, #tpu.memory_space<vmem>>[vector<16xi32>], vector<16xf32>,
      %mul3A_307 = arith.mulf %gather3A, %gather3A_306 : vector<16xf32>
      %add3A_308 = arith.addf %broadcast_in_dim3A_298, %mul3A_307 : vector<16xf32>
      %add3A_309 = arith.constant 1 : i32
      %add3A_310 = vector.broadcast %add3A_309 : i32 to vector<16xi32>
      %add3A_311 = arith.addi %iota3A, %add3A_310 : vector<16xi32>
      %and3A_312 = arith.constant 31 : i32
      %and3A_313 = vector.broadcast %and3A_312 : i32 to vector<16xi32>
      %and3A_314 = arith.andi %add3A_311, %and3A_313 : vector<16xi32>
      %add3A_315 = arith.addi %add3A_297, %and3A_314 : vector<16xi32>
      %gather3A_316 = tpu.vector_load_idx %arg11[%add3A_315] : memref<16384xf32, #tpu.memory_space<vmem>>[vector<16xi32>], vector<16xf32>,
      %gather3A_317 = tpu.vector_load_idx %arg12[%add3A_315] : memref<16384xf32, #tpu.memory_space<vmem>>[vector<16xi32>], vector<16xf32>,
      %mul3A_318 = arith.mulf %gather3A_316, %gather3A_317 : vector<16xf32>
      %add3A_319 = arith.addf %add3A_308, %mul3A_318 : vector<16xf32>
      %add3A_320 = arith.constant 2 : i32
      %add3A_321 = vector.broadcast %add3A_320 : i32 to vector<16xi32>
      %add3A_322 = arith.addi %iota3A, %add3A_321 : vector<16xi32>
      %and3A_323 = arith.constant 31 : i32
      %and3A_324 = vector.broadcast %and3A_323 : i32 to vector<16xi32>
      %and3A_325 = arith.andi %add3A_322, %and3A_324 : vector<16xi32>
      %add3A_326 = arith.addi %add3A_297, %and3A_325 : vector<16xi32>
      %gather3A_327 = tpu.vector_load_idx %arg11[%add3A_326] : memref<16384xf32, #tpu.memory_space<vmem>>[vector<16xi32>], vector<16xf32>,
      %gather3A_328 = tpu.vector_load_idx %arg12[%add3A_326] : memref<16384xf32, #tpu.memory_space<vmem>>[vector<16xi32>], vector<16xf32>,
      %mul3A_329 = arith.mulf %gather3A_327, %gather3A_328 : vector<16xf32>
      %add3A_330 = arith.addf %add3A_319, %mul3A_329 : vector<16xf32>
      %add3A_331 = arith.constant 3 : i32
      %add3A_332 = vector.broadcast %add3A_331 : i32 to vector<16xi32>
      %add3A_333 = arith.addi %iota3A, %add3A_332 : vector<16xi32>
      %and3A_334 = arith.constant 31 : i32
      %and3A_335 = vector.broadcast %and3A_334 : i32 to vector<16xi32>
      %and3A_336 = arith.andi %add3A_333, %and3A_335 : vector<16xi32>
      %add3A_337 = arith.addi %add3A_297, %and3A_336 : vector<16xi32>
      %gather3A_338 = tpu.vector_load_idx %arg11[%add3A_337] : memref<16384xf32, #tpu.memory_space<vmem>>[vector<16xi32>], vector<16xf32>,
      %gather3A_339 = tpu.vector_load_idx %arg12[%add3A_337] : memref<16384xf32, #tpu.memory_space<vmem>>[vector<16xi32>], vector<16xf32>,
      %mul3A_340 = arith.mulf %gather3A_338, %gather3A_339 : vector<16xf32>
      %add3A_341 = arith.addf %add3A_330, %mul3A_340 : vector<16xf32>
      %add3A_342 = arith.constant 4 : i32
      %add3A_343 = vector.broadcast %add3A_342 : i32 to vector<16xi32>
      %add3A_344 = arith.addi %iota3A, %add3A_343 : vector<16xi32>
      %and3A_345 = arith.constant 31 : i32
      %and3A_346 = vector.broadcast %and3A_345 : i32 to vector<16xi32>
      %and3A_347 = arith.andi %add3A_344, %and3A_346 : vector<16xi32>
      %add3A_348 = arith.addi %add3A_297, %and3A_347 : vector<16xi32>
      %gather3A_349 = tpu.vector_load_idx %arg11[%add3A_348] : memref<16384xf32, #tpu.memory_space<vmem>>[vector<16xi32>], vector<16xf32>,
      %gather3A_350 = tpu.vector_load_idx %arg12[%add3A_348] : memref<16384xf32, #tpu.memory_space<vmem>>[vector<16xi32>], vector<16xf32>,
      %mul3A_351 = arith.mulf %gather3A_349, %gather3A_350 : vector<16xf32>
      %add3A_352 = arith.addf %add3A_341, %mul3A_351 : vector<16xf32>
      %add3A_353 = arith.constant 5 : i32
      %add3A_354 = vector.broadcast %add3A_353 : i32 to vector<16xi32>
      %add3A_355 = arith.addi %iota3A, %add3A_354 : vector<16xi32>
      %and3A_356 = arith.constant 31 : i32
      %and3A_357 = vector.broadcast %and3A_356 : i32 to vector<16xi32>
      %and3A_358 = arith.andi %add3A_355, %and3A_357 : vector<16xi32>
      %add3A_359 = arith.addi %add3A_297, %and3A_358 : vector<16xi32>
      %gather3A_360 = tpu.vector_load_idx %arg11[%add3A_359] : memref<16384xf32, #tpu.memory_space<vmem>>[vector<16xi32>], vector<16xf32>,
      %gather3A_361 = tpu.vector_load_idx %arg12[%add3A_359] : memref<16384xf32, #tpu.memory_space<vmem>>[vector<16xi32>], vector<16xf32>,
      %mul3A_362 = arith.mulf %gather3A_360, %gather3A_361 : vector<16xf32>
      %add3A_363 = arith.addf %add3A_352, %mul3A_362 : vector<16xf32>
      %add3A_364 = arith.constant 6 : i32
      %add3A_365 = vector.broadcast %add3A_364 : i32 to vector<16xi32>
      %add3A_366 = arith.addi %iota3A, %add3A_365 : vector<16xi32>
      %and3A_367 = arith.constant 31 : i32
      %and3A_368 = vector.broadcast %and3A_367 : i32 to vector<16xi32>
      %and3A_369 = arith.andi %add3A_366, %and3A_368 : vector<16xi32>
      %add3A_370 = arith.addi %add3A_297, %and3A_369 : vector<16xi32>
      %gather3A_371 = tpu.vector_load_idx %arg11[%add3A_370] : memref<16384xf32, #tpu.memory_space<vmem>>[vector<16xi32>], vector<16xf32>,
      %gather3A_372 = tpu.vector_load_idx %arg12[%add3A_370] : memref<16384xf32, #tpu.memory_space<vmem>>[vector<16xi32>], vector<16xf32>,
      %mul3A_373 = arith.mulf %gather3A_371, %gather3A_372 : vector<16xf32>
      %add3A_374 = arith.addf %add3A_363, %mul3A_373 : vector<16xf32>
      %add3A_375 = arith.constant 7 : i32
      %add3A_376 = vector.broadcast %add3A_375 : i32 to vector<16xi32>
      %add3A_377 = arith.addi %iota3A, %add3A_376 : vector<16xi32>
      %and3A_378 = arith.constant 31 : i32
      %and3A_379 = vector.broadcast %and3A_378 : i32 to vector<16xi32>
      %and3A_380 = arith.andi %add3A_377, %and3A_379 : vector<16xi32>
      %add3A_381 = arith.addi %add3A_297, %and3A_380 : vector<16xi32>
      %gather3A_382 = tpu.vector_load_idx %arg11[%add3A_381] : memref<16384xf32, #tpu.memory_space<vmem>>[vector<16xi32>], vector<16xf32>,
      %gather3A_383 = tpu.vector_load_idx %arg12[%add3A_381] : memref<16384xf32, #tpu.memory_space<vmem>>[vector<16xi32>], vector<16xf32>,
      %mul3A_384 = arith.mulf %gather3A_382, %gather3A_383 : vector<16xf32>
      %add3A_385 = arith.addf %add3A_374, %mul3A_384 : vector<16xf32>
      %add3A_386 = arith.constant 8 : i32
      %add3A_387 = vector.broadcast %add3A_386 : i32 to vector<16xi32>
      %add3A_388 = arith.addi %iota3A, %add3A_387 : vector<16xi32>
      %and3A_389 = arith.constant 31 : i32
      %and3A_390 = vector.broadcast %and3A_389 : i32 to vector<16xi32>
      %and3A_391 = arith.andi %add3A_388, %and3A_390 : vector<16xi32>
      %add3A_392 = arith.addi %add3A_297, %and3A_391 : vector<16xi32>
      %gather3A_393 = tpu.vector_load_idx %arg11[%add3A_392] : memref<16384xf32, #tpu.memory_space<vmem>>[vector<16xi32>], vector<16xf32>,
      %gather3A_394 = tpu.vector_load_idx %arg12[%add3A_392] : memref<16384xf32, #tpu.memory_space<vmem>>[vector<16xi32>], vector<16xf32>,
      %mul3A_395 = arith.mulf %gather3A_393, %gather3A_394 : vector<16xf32>
      %add3A_396 = arith.addf %add3A_385, %mul3A_395 : vector<16xf32>
      %add3A_397 = arith.constant 9 : i32
      %add3A_398 = vector.broadcast %add3A_397 : i32 to vector<16xi32>
      %add3A_399 = arith.addi %iota3A, %add3A_398 : vector<16xi32>
      %and3A_400 = arith.constant 31 : i32
      %and3A_401 = vector.broadcast %and3A_400 : i32 to vector<16xi32>
      %and3A_402 = arith.andi %add3A_399, %and3A_401 : vector<16xi32>
      %add3A_403 = arith.addi %add3A_297, %and3A_402 : vector<16xi32>
      %gather3A_404 = tpu.vector_load_idx %arg11[%add3A_403] : memref<16384xf32, #tpu.memory_space<vmem>>[vector<16xi32>], vector<16xf32>,
      %gather3A_405 = tpu.vector_load_idx %arg12[%add3A_403] : memref<16384xf32, #tpu.memory_space<vmem>>[vector<16xi32>], vector<16xf32>,
      %mul3A_406 = arith.mulf %gather3A_404, %gather3A_405 : vector<16xf32>
      %add3A_407 = arith.addf %add3A_396, %mul3A_406 : vector<16xf32>
      %add3A_408 = arith.constant 10 : i32
      %add3A_409 = vector.broadcast %add3A_408 : i32 to vector<16xi32>
      %add3A_410 = arith.addi %iota3A, %add3A_409 : vector<16xi32>
      %and3A_411 = arith.constant 31 : i32
      %and3A_412 = vector.broadcast %and3A_411 : i32 to vector<16xi32>
      %and3A_413 = arith.andi %add3A_410, %and3A_412 : vector<16xi32>
      %add3A_414 = arith.addi %add3A_297, %and3A_413 : vector<16xi32>
      %gather3A_415 = tpu.vector_load_idx %arg11[%add3A_414] : memref<16384xf32, #tpu.memory_space<vmem>>[vector<16xi32>], vector<16xf32>,
      %gather3A_416 = tpu.vector_load_idx %arg12[%add3A_414] : memref<16384xf32, #tpu.memory_space<vmem>>[vector<16xi32>], vector<16xf32>,
      %mul3A_417 = arith.mulf %gather3A_415, %gather3A_416 : vector<16xf32>
      %add3A_418 = arith.addf %add3A_407, %mul3A_417 : vector<16xf32>
      %add3A_419 = arith.constant 11 : i32
      %add3A_420 = vector.broadcast %add3A_419 : i32 to vector<16xi32>
      %add3A_421 = arith.addi %iota3A, %add3A_420 : vector<16xi32>
      %and3A_422 = arith.constant 31 : i32
      %and3A_423 = vector.broadcast %and3A_422 : i32 to vector<16xi32>
      %and3A_424 = arith.andi %add3A_421, %and3A_423 : vector<16xi32>
      %add3A_425 = arith.addi %add3A_297, %and3A_424 : vector<16xi32>
      %gather3A_426 = tpu.vector_load_idx %arg11[%add3A_425] : memref<16384xf32, #tpu.memory_space<vmem>>[vector<16xi32>], vector<16xf32>,
      %gather3A_427 = tpu.vector_load_idx %arg12[%add3A_425] : memref<16384xf32, #tpu.memory_space<vmem>>[vector<16xi32>], vector<16xf32>,
      %mul3A_428 = arith.mulf %gather3A_426, %gather3A_427 : vector<16xf32>
      %add3A_429 = arith.addf %add3A_418, %mul3A_428 : vector<16xf32>
      %add3A_430 = arith.constant 12 : i32
      %add3A_431 = vector.broadcast %add3A_430 : i32 to vector<16xi32>
      %add3A_432 = arith.addi %iota3A, %add3A_431 : vector<16xi32>
      %and3A_433 = arith.constant 31 : i32
      %and3A_434 = vector.broadcast %and3A_433 : i32 to vector<16xi32>
      %and3A_435 = arith.andi %add3A_432, %and3A_434 : vector<16xi32>
      %add3A_436 = arith.addi %add3A_297, %and3A_435 : vector<16xi32>
      %gather3A_437 = tpu.vector_load_idx %arg11[%add3A_436] : memref<16384xf32, #tpu.memory_space<vmem>>[vector<16xi32>], vector<16xf32>,
      %gather3A_438 = tpu.vector_load_idx %arg12[%add3A_436] : memref<16384xf32, #tpu.memory_space<vmem>>[vector<16xi32>], vector<16xf32>,
      %mul3A_439 = arith.mulf %gather3A_437, %gather3A_438 : vector<16xf32>
      %add3A_440 = arith.addf %add3A_429, %mul3A_439 : vector<16xf32>
      %add3A_441 = arith.constant 13 : i32
      %add3A_442 = vector.broadcast %add3A_441 : i32 to vector<16xi32>
      %add3A_443 = arith.addi %iota3A, %add3A_442 : vector<16xi32>
      %and3A_444 = arith.constant 31 : i32
      %and3A_445 = vector.broadcast %and3A_444 : i32 to vector<16xi32>
      %and3A_446 = arith.andi %add3A_443, %and3A_445 : vector<16xi32>
      %add3A_447 = arith.addi %add3A_297, %and3A_446 : vector<16xi32>
      %gather3A_448 = tpu.vector_load_idx %arg11[%add3A_447] : memref<16384xf32, #tpu.memory_space<vmem>>[vector<16xi32>], vector<16xf32>,
      %gather3A_449 = tpu.vector_load_idx %arg12[%add3A_447] : memref<16384xf32, #tpu.memory_space<vmem>>[vector<16xi32>], vector<16xf32>,
      %mul3A_450 = arith.mulf %gather3A_448, %gather3A_449 : vector<16xf32>
      %add3A_451 = arith.addf %add3A_440, %mul3A_450 : vector<16xf32>
      %add3A_452 = arith.constant 14 : i32
      %add3A_453 = vector.broadcast %add3A_452 : i32 to vector<16xi32>
      %add3A_454 = arith.addi %iota3A, %add3A_453 : vector<16xi32>
      %and3A_455 = arith.constant 31 : i32
      %and3A_456 = vector.broadcast %and3A_455 : i32 to vector<16xi32>
      %and3A_457 = arith.andi %add3A_454, %and3A_456 : vector<16xi32>
      %add3A_458 = arith.addi %add3A_297, %and3A_457 : vector<16xi32>
      %gather3A_459 = tpu.vector_load_idx %arg11[%add3A_458] : memref<16384xf32, #tpu.memory_space<vmem>>[vector<16xi32>], vector<16xf32>,
      %gather3A_460 = tpu.vector_load_idx %arg12[%add3A_458] : memref<16384xf32, #tpu.memory_space<vmem>>[vector<16xi32>], vector<16xf32>,
      %mul3A_461 = arith.mulf %gather3A_459, %gather3A_460 : vector<16xf32>
      %add3A_462 = arith.addf %add3A_451, %mul3A_461 : vector<16xf32>
      %add3A_463 = arith.constant 15 : i32
      %add3A_464 = vector.broadcast %add3A_463 : i32 to vector<16xi32>
      %add3A_465 = arith.addi %iota3A, %add3A_464 : vector<16xi32>
      %and3A_466 = arith.constant 31 : i32
      %and3A_467 = vector.broadcast %and3A_466 : i32 to vector<16xi32>
      %and3A_468 = arith.andi %add3A_465, %and3A_467 : vector<16xi32>
      %add3A_469 = arith.addi %add3A_297, %and3A_468 : vector<16xi32>
      %gather3A_470 = tpu.vector_load_idx %arg11[%add3A_469] : memref<16384xf32, #tpu.memory_space<vmem>>[vector<16xi32>], vector<16xf32>,
      %gather3A_471 = tpu.vector_load_idx %arg12[%add3A_469] : memref<16384xf32, #tpu.memory_space<vmem>>[vector<16xi32>], vector<16xf32>,
      %mul3A_472 = arith.mulf %gather3A_470, %gather3A_471 : vector<16xf32>
      %add3A_473 = arith.addf %add3A_462, %mul3A_472 : vector<16xf32>
      %add3A_474 = arith.constant 16 : i32
      %add3A_475 = vector.broadcast %add3A_474 : i32 to vector<16xi32>
      %add3A_476 = arith.addi %iota3A, %add3A_475 : vector<16xi32>
      %and3A_477 = arith.constant 31 : i32
      %and3A_478 = vector.broadcast %and3A_477 : i32 to vector<16xi32>
      %and3A_479 = arith.andi %add3A_476, %and3A_478 : vector<16xi32>
      %add3A_480 = arith.addi %add3A_297, %and3A_479 : vector<16xi32>
      %gather3A_481 = tpu.vector_load_idx %arg11[%add3A_480] : memref<16384xf32, #tpu.memory_space<vmem>>[vector<16xi32>], vector<16xf32>,
      %gather3A_482 = tpu.vector_load_idx %arg12[%add3A_480] : memref<16384xf32, #tpu.memory_space<vmem>>[vector<16xi32>], vector<16xf32>,
      %mul3A_483 = arith.mulf %gather3A_481, %gather3A_482 : vector<16xf32>
      %add3A_484 = arith.addf %add3A_473, %mul3A_483 : vector<16xf32>
      %add3A_485 = arith.constant 17 : i32
      %add3A_486 = vector.broadcast %add3A_485 : i32 to vector<16xi32>
      %add3A_487 = arith.addi %iota3A, %add3A_486 : vector<16xi32>
      %and3A_488 = arith.constant 31 : i32
      %and3A_489 = vector.broadcast %and3A_488 : i32 to vector<16xi32>
      %and3A_490 = arith.andi %add3A_487, %and3A_489 : vector<16xi32>
      %add3A_491 = arith.addi %add3A_297, %and3A_490 : vector<16xi32>
      %gather3A_492 = tpu.vector_load_idx %arg11[%add3A_491] : memref<16384xf32, #tpu.memory_space<vmem>>[vector<16xi32>], vector<16xf32>,
      %gather3A_493 = tpu.vector_load_idx %arg12[%add3A_491] : memref<16384xf32, #tpu.memory_space<vmem>>[vector<16xi32>], vector<16xf32>,
      %mul3A_494 = arith.mulf %gather3A_492, %gather3A_493 : vector<16xf32>
      %add3A_495 = arith.addf %add3A_484, %mul3A_494 : vector<16xf32>
      %add3A_496 = arith.constant 18 : i32
      %add3A_497 = vector.broadcast %add3A_496 : i32 to vector<16xi32>
      %add3A_498 = arith.addi %iota3A, %add3A_497 : vector<16xi32>
      %and3A_499 = arith.constant 31 : i32
      %and3A_500 = vector.broadcast %and3A_499 : i32 to vector<16xi32>
      %and3A_501 = arith.andi %add3A_498, %and3A_500 : vector<16xi32>
      %add3A_502 = arith.addi %add3A_297, %and3A_501 : vector<16xi32>
      %gather3A_503 = tpu.vector_load_idx %arg11[%add3A_502] : memref<16384xf32, #tpu.memory_space<vmem>>[vector<16xi32>], vector<16xf32>,
      %gather3A_504 = tpu.vector_load_idx %arg12[%add3A_502] : memref<16384xf32, #tpu.memory_space<vmem>>[vector<16xi32>], vector<16xf32>,
      %mul3A_505 = arith.mulf %gather3A_503, %gather3A_504 : vector<16xf32>
      %add3A_506 = arith.addf %add3A_495, %mul3A_505 : vector<16xf32>
      %add3A_507 = arith.constant 19 : i32
      %add3A_508 = vector.broadcast %add3A_507 : i32 to vector<16xi32>
      %add3A_509 = arith.addi %iota3A, %add3A_508 : vector<16xi32>
      %and3A_510 = arith.constant 31 : i32
      %and3A_511 = vector.broadcast %and3A_510 : i32 to vector<16xi32>
      %and3A_512 = arith.andi %add3A_509, %and3A_511 : vector<16xi32>
      %add3A_513 = arith.addi %add3A_297, %and3A_512 : vector<16xi32>
      %gather3A_514 = tpu.vector_load_idx %arg11[%add3A_513] : memref<16384xf32, #tpu.memory_space<vmem>>[vector<16xi32>], vector<16xf32>,
      %gather3A_515 = tpu.vector_load_idx %arg12[%add3A_513] : memref<16384xf32, #tpu.memory_space<vmem>>[vector<16xi32>], vector<16xf32>,
      %mul3A_516 = arith.mulf %gather3A_514, %gather3A_515 : vector<16xf32>
      %add3A_517 = arith.addf %add3A_506, %mul3A_516 : vector<16xf32>
      %add3A_518 = arith.constant 20 : i32
      %add3A_519 = vector.broadcast %add3A_518 : i32 to vector<16xi32>
      %add3A_520 = arith.addi %iota3A, %add3A_519 : vector<16xi32>
      %and3A_521 = arith.constant 31 : i32
      %and3A_522 = vector.broadcast %and3A_521 : i32 to vector<16xi32>
      %and3A_523 = arith.andi %add3A_520, %and3A_522 : vector<16xi32>
      %add3A_524 = arith.addi %add3A_297, %and3A_523 : vector<16xi32>
      %gather3A_525 = tpu.vector_load_idx %arg11[%add3A_524] : memref<16384xf32, #tpu.memory_space<vmem>>[vector<16xi32>], vector<16xf32>,
      %gather3A_526 = tpu.vector_load_idx %arg12[%add3A_524] : memref<16384xf32, #tpu.memory_space<vmem>>[vector<16xi32>], vector<16xf32>,
      %mul3A_527 = arith.mulf %gather3A_525, %gather3A_526 : vector<16xf32>
      %add3A_528 = arith.addf %add3A_517, %mul3A_527 : vector<16xf32>
      %add3A_529 = arith.constant 21 : i32
      %add3A_530 = vector.broadcast %add3A_529 : i32 to vector<16xi32>
      %add3A_531 = arith.addi %iota3A, %add3A_530 : vector<16xi32>
      %and3A_532 = arith.constant 31 : i32
      %and3A_533 = vector.broadcast %and3A_532 : i32 to vector<16xi32>
      %and3A_534 = arith.andi %add3A_531, %and3A_533 : vector<16xi32>
      %add3A_535 = arith.addi %add3A_297, %and3A_534 : vector<16xi32>
      %gather3A_536 = tpu.vector_load_idx %arg11[%add3A_535] : memref<16384xf32, #tpu.memory_space<vmem>>[vector<16xi32>], vector<16xf32>,
      %gather3A_537 = tpu.vector_load_idx %arg12[%add3A_535] : memref<16384xf32, #tpu.memory_space<vmem>>[vector<16xi32>], vector<16xf32>,
      %mul3A_538 = arith.mulf %gather3A_536, %gather3A_537 : vector<16xf32>
      %add3A_539 = arith.addf %add3A_528, %mul3A_538 : vector<16xf32>
      %add3A_540 = arith.constant 22 : i32
      %add3A_541 = vector.broadcast %add3A_540 : i32 to vector<16xi32>
      %add3A_542 = arith.addi %iota3A, %add3A_541 : vector<16xi32>
      %and3A_543 = arith.constant 31 : i32
      %and3A_544 = vector.broadcast %and3A_543 : i32 to vector<16xi32>
      %and3A_545 = arith.andi %add3A_542, %and3A_544 : vector<16xi32>
      %add3A_546 = arith.addi %add3A_297, %and3A_545 : vector<16xi32>
      %gather3A_547 = tpu.vector_load_idx %arg11[%add3A_546] : memref<16384xf32, #tpu.memory_space<vmem>>[vector<16xi32>], vector<16xf32>,
      %gather3A_548 = tpu.vector_load_idx %arg12[%add3A_546] : memref<16384xf32, #tpu.memory_space<vmem>>[vector<16xi32>], vector<16xf32>,
      %mul3A_549 = arith.mulf %gather3A_547, %gather3A_548 : vector<16xf32>
      %add3A_550 = arith.addf %add3A_539, %mul3A_549 : vector<16xf32>
      %add3A_551 = arith.constant 23 : i32
      %add3A_552 = vector.broadcast %add3A_551 : i32 to vector<16xi32>
      %add3A_553 = arith.addi %iota3A, %add3A_552 : vector<16xi32>
      %and3A_554 = arith.constant 31 : i32
      %and3A_555 = vector.broadcast %and3A_554 : i32 to vector<16xi32>
      %and3A_556 = arith.andi %add3A_553, %and3A_555 : vector<16xi32>
      %add3A_557 = arith.addi %add3A_297, %and3A_556 : vector<16xi32>
      %gather3A_558 = tpu.vector_load_idx %arg11[%add3A_557] : memref<16384xf32, #tpu.memory_space<vmem>>[vector<16xi32>], vector<16xf32>,
      %gather3A_559 = tpu.vector_load_idx %arg12[%add3A_557] : memref<16384xf32, #tpu.memory_space<vmem>>[vector<16xi32>], vector<16xf32>,
      %mul3A_560 = arith.mulf %gather3A_558, %gather3A_559 : vector<16xf32>
      %add3A_561 = arith.addf %add3A_550, %mul3A_560 : vector<16xf32>
      %add3A_562 = arith.constant 24 : i32
      %add3A_563 = vector.broadcast %add3A_562 : i32 to vector<16xi32>
      %add3A_564 = arith.addi %iota3A, %add3A_563 : vector<16xi32>
      %and3A_565 = arith.constant 31 : i32
      %and3A_566 = vector.broadcast %and3A_565 : i32 to vector<16xi32>
      %and3A_567 = arith.andi %add3A_564, %and3A_566 : vector<16xi32>
      %add3A_568 = arith.addi %add3A_297, %and3A_567 : vector<16xi32>
      %gather3A_569 = tpu.vector_load_idx %arg11[%add3A_568] : memref<16384xf32, #tpu.memory_space<vmem>>[vector<16xi32>], vector<16xf32>,
      %gather3A_570 = tpu.vector_load_idx %arg12[%add3A_568] : memref<16384xf32, #tpu.memory_space<vmem>>[vector<16xi32>], vector<16xf32>,
      %mul3A_571 = arith.mulf %gather3A_569, %gather3A_570 : vector<16xf32>
      %add3A_572 = arith.addf %add3A_561, %mul3A_571 : vector<16xf32>
      %add3A_573 = arith.constant 25 : i32
      %add3A_574 = vector.broadcast %add3A_573 : i32 to vector<16xi32>
      %add3A_575 = arith.addi %iota3A, %add3A_574 : vector<16xi32>
      %and3A_576 = arith.constant 31 : i32
      %and3A_577 = vector.broadcast %and3A_576 : i32 to vector<16xi32>
      %and3A_578 = arith.andi %add3A_575, %and3A_577 : vector<16xi32>
      %add3A_579 = arith.addi %add3A_297, %and3A_578 : vector<16xi32>
      %gather3A_580 = tpu.vector_load_idx %arg11[%add3A_579] : memref<16384xf32, #tpu.memory_space<vmem>>[vector<16xi32>], vector<16xf32>,
      %gather3A_581 = tpu.vector_load_idx %arg12[%add3A_579] : memref<16384xf32, #tpu.memory_space<vmem>>[vector<16xi32>], vector<16xf32>,
      %mul3A_582 = arith.mulf %gather3A_580, %gather3A_581 : vector<16xf32>
      %add3A_583 = arith.addf %add3A_572, %mul3A_582 : vector<16xf32>
      %add3A_584 = arith.constant 26 : i32
      %add3A_585 = vector.broadcast %add3A_584 : i32 to vector<16xi32>
      %add3A_586 = arith.addi %iota3A, %add3A_585 : vector<16xi32>
      %and3A_587 = arith.constant 31 : i32
      %and3A_588 = vector.broadcast %and3A_587 : i32 to vector<16xi32>
      %and3A_589 = arith.andi %add3A_586, %and3A_588 : vector<16xi32>
      %add3A_590 = arith.addi %add3A_297, %and3A_589 : vector<16xi32>
      %gather3A_591 = tpu.vector_load_idx %arg11[%add3A_590] : memref<16384xf32, #tpu.memory_space<vmem>>[vector<16xi32>], vector<16xf32>,
      %gather3A_592 = tpu.vector_load_idx %arg12[%add3A_590] : memref<16384xf32, #tpu.memory_space<vmem>>[vector<16xi32>], vector<16xf32>,
      %mul3A_593 = arith.mulf %gather3A_591, %gather3A_592 : vector<16xf32>
      %add3A_594 = arith.addf %add3A_583, %mul3A_593 : vector<16xf32>
      %add3A_595 = arith.constant 27 : i32
      %add3A_596 = vector.broadcast %add3A_595 : i32 to vector<16xi32>
      %add3A_597 = arith.addi %iota3A, %add3A_596 : vector<16xi32>
      %and3A_598 = arith.constant 31 : i32
      %and3A_599 = vector.broadcast %and3A_598 : i32 to vector<16xi32>
      %and3A_600 = arith.andi %add3A_597, %and3A_599 : vector<16xi32>
      %add3A_601 = arith.addi %add3A_297, %and3A_600 : vector<16xi32>
      %gather3A_602 = tpu.vector_load_idx %arg11[%add3A_601] : memref<16384xf32, #tpu.memory_space<vmem>>[vector<16xi32>], vector<16xf32>,
      %gather3A_603 = tpu.vector_load_idx %arg12[%add3A_601] : memref<16384xf32, #tpu.memory_space<vmem>>[vector<16xi32>], vector<16xf32>,
      %mul3A_604 = arith.mulf %gather3A_602, %gather3A_603 : vector<16xf32>
      %add3A_605 = arith.addf %add3A_594, %mul3A_604 : vector<16xf32>
      %add3A_606 = arith.constant 28 : i32
      %add3A_607 = vector.broadcast %add3A_606 : i32 to vector<16xi32>
      %add3A_608 = arith.addi %iota3A, %add3A_607 : vector<16xi32>
      %and3A_609 = arith.constant 31 : i32
      %and3A_610 = vector.broadcast %and3A_609 : i32 to vector<16xi32>
      %and3A_611 = arith.andi %add3A_608, %and3A_610 : vector<16xi32>
      %add3A_612 = arith.addi %add3A_297, %and3A_611 : vector<16xi32>
      %gather3A_613 = tpu.vector_load_idx %arg11[%add3A_612] : memref<16384xf32, #tpu.memory_space<vmem>>[vector<16xi32>], vector<16xf32>,
      %gather3A_614 = tpu.vector_load_idx %arg12[%add3A_612] : memref<16384xf32, #tpu.memory_space<vmem>>[vector<16xi32>], vector<16xf32>,
      %mul3A_615 = arith.mulf %gather3A_613, %gather3A_614 : vector<16xf32>
      %add3A_616 = arith.addf %add3A_605, %mul3A_615 : vector<16xf32>
      %add3A_617 = arith.constant 29 : i32
      %add3A_618 = vector.broadcast %add3A_617 : i32 to vector<16xi32>
      %add3A_619 = arith.addi %iota3A, %add3A_618 : vector<16xi32>
      %and3A_620 = arith.constant 31 : i32
      %and3A_621 = vector.broadcast %and3A_620 : i32 to vector<16xi32>
      %and3A_622 = arith.andi %add3A_619, %and3A_621 : vector<16xi32>
      %add3A_623 = arith.addi %add3A_297, %and3A_622 : vector<16xi32>
      %gather3A_624 = tpu.vector_load_idx %arg11[%add3A_623] : memref<16384xf32, #tpu.memory_space<vmem>>[vector<16xi32>], vector<16xf32>,
      %gather3A_625 = tpu.vector_load_idx %arg12[%add3A_623] : memref<16384xf32, #tpu.memory_space<vmem>>[vector<16xi32>], vector<16xf32>,
      %mul3A_626 = arith.mulf %gather3A_624, %gather3A_625 : vector<16xf32>
      %add3A_627 = arith.addf %add3A_616, %mul3A_626 : vector<16xf32>
      %add3A_628 = arith.constant 30 : i32
      %add3A_629 = vector.broadcast %add3A_628 : i32 to vector<16xi32>
      %add3A_630 = arith.addi %iota3A, %add3A_629 : vector<16xi32>
      %and3A_631 = arith.constant 31 : i32
      %and3A_632 = vector.broadcast %and3A_631 : i32 to vector<16xi32>
      %and3A_633 = arith.andi %add3A_630, %and3A_632 : vector<16xi32>
      %add3A_634 = arith.addi %add3A_297, %and3A_633 : vector<16xi32>
      %gather3A_635 = tpu.vector_load_idx %arg11[%add3A_634] : memref<16384xf32, #tpu.memory_space<vmem>>[vector<16xi32>], vector<16xf32>,
      %gather3A_636 = tpu.vector_load_idx %arg12[%add3A_634] : memref<16384xf32, #tpu.memory_space<vmem>>[vector<16xi32>], vector<16xf32>,
      %mul3A_637 = arith.mulf %gather3A_635, %gather3A_636 : vector<16xf32>
      %add3A_638 = arith.addf %add3A_627, %mul3A_637 : vector<16xf32>
      %add3A_639 = arith.constant 31 : i32
      %add3A_640 = vector.broadcast %add3A_639 : i32 to vector<16xi32>
      %add3A_641 = arith.addi %iota3A, %add3A_640 : vector<16xi32>
      %and3A_642 = arith.constant 31 : i32
      %and3A_643 = vector.broadcast %and3A_642 : i32 to vector<16xi32>
      %and3A_644 = arith.andi %add3A_641, %and3A_643 : vector<16xi32>
      %add3A_645 = arith.addi %add3A_297, %and3A_644 : vector<16xi32>
      %gather3A_646 = tpu.vector_load_idx %arg11[%add3A_645] : memref<16384xf32, #tpu.memory_space<vmem>>[vector<16xi32>], vector<16xf32>,
      %gather3A_647 = tpu.vector_load_idx %arg12[%add3A_645] : memref<16384xf32, #tpu.memory_space<vmem>>[vector<16xi32>], vector<16xf32>,
      %mul3A_648 = arith.mulf %gather3A_646, %gather3A_647 : vector<16xf32>
      %add3A_649 = arith.addf %add3A_638, %mul3A_648 : vector<16xf32>
      %neg3A = arith.constant 0.000000e+00 : f32
      %neg3A_650 = vector.broadcast %neg3A : f32 to vector<16xf32>
      %neg3A_651 = arith.subf %neg3A_650, %add3A_649 : vector<16xf32>
      %exp3A = math.exp %neg3A_651 : vector<16xf32>
      %add3A_652 = arith.constant 1.000000e+00 : f32
      %add3A_653 = vector.broadcast %add3A_652 : f32 to vector<16xf32>
      %add3A_654 = arith.addf %add3A_653, %exp3A : vector<16xf32>
      %div3A = arith.constant 1.000000e+00 : f32
      %div3A_655 = vector.broadcast %div3A : f32 to vector<16xf32>
      %div3A_656 = arith.divf %div3A_655, %add3A_654 : vector<16xf32>
      %mul3A_657 = arith.constant 16 : i32
      %mul3A_658 = arith.muli %scan3A_288, %mul3A_657 : i32
      %swap3A = arith.index_cast %mul3A_658 : i32 to index
      %swap3A_659 = tpu.vector_load %arg13[%swap3A] {strides = array<i32>} : memref<512xf32, #tpu.memory_space<vmem>>, vector<16xf32>,
      tpu.vector_store %arg13[%swap3A], %div3A_656 {strides = array<i32>} : memref<512xf32, #tpu.memory_space<vmem>>, vector<16xf32>,
    }
    %scan3A_287 = arith.constant 32 : i32
    "tpu.region"() ({
      %run_scoped3A = tpu.sem_alloc : memref<!tpu.dma_semaphore, #tpu.memory_space<semaphore_mem>>
      %dma_start3A_288 = tpu.memref_slice %arg6[%mul3A_2] : memref<16384xf32, #tpu.memory_space<hbm>> -> memref<512xf32, #tpu.memory_space<hbm>>
      %dma_start3A_289 = tpu.memref_slice %arg6[%mul3A_2] : memref<16384xf32, #tpu.memory_space<hbm>> -> memref<512xf32, #tpu.memory_space<hbm>>
      tpu.enqueue_dma source(%arg13 : memref<512xf32, #tpu.memory_space<vmem>>) target(%dma_start3A_289 : memref<512xf32, #tpu.memory_space<hbm>>) target_semaphore(%run_scoped3A : memref<!tpu.dma_semaphore, #tpu.memory_space<semaphore_mem>>)
      %dma_wait3A = tpu.memref_slice %arg6[%mul3A_2] : memref<16384xf32, #tpu.memory_space<hbm>> -> memref<512xf32, #tpu.memory_space<hbm>>
      %dma_wait3A_290 = tpu.memref_slice %arg6[%mul3A_2] : memref<16384xf32, #tpu.memory_space<hbm>> -> memref<512xf32, #tpu.memory_space<hbm>>
      tpu.wait_dma2 semaphore(%run_scoped3A : memref<!tpu.dma_semaphore, #tpu.memory_space<semaphore_mem>>) src(%arg13 : memref<512xf32, #tpu.memory_space<vmem>>) dst(%dma_wait3A_290 : memref<512xf32, #tpu.memory_space<hbm>>)
      tpu.yield
    }) : () -> ()
    return
  }
}

</mosaic_0001>

<sc_bundles>
// kernel: kernel.3.cloned.1.call-start
scs
__scs_entry_jumppad:
0x0: {  	(pc) =	sbr.rel $0x88, $3  }
0x1: {  	(tag) =	ssettag $0x0;
	lr =	simm.s32 $0x1  }
0x2: {  	[smem:$0x3F9D] =	sst lr;
	_ =	strace $0xD0000000  }
0x3: {  	_ = 	snop  }
0x4: {  	_ = 	snop  }
0x5: {  	_ = 	snop  }
0x6: {  	_ = 	snop  }
0x7: {  	_ = 	snop  }
__scs_overlays_trampoline_lowered:
0x8: {  	[smem:$0x3FAC] =	sst s0  }
0x9: {  	[smem:$0x3FAD] =	sst s1  }
0xa: {  	[smem:$0x3FAE] =	sst s2  }
0xb: {  	[smem:$0x3FAF] =	sst s3  }
0xc: {  	[smem:$0x3FB0] =	sst s4  }
0xd: {  	[smem:$0x3FB1] =	sst s5  }
0xe: {  	[smem:$0x3FB2] =	sst s6  }
0xf: {  	[smem:$0x3FB3] =	sst s7  }
0x10: {  	[smem:$0x3FB4] =	sst s8  }
0x11: {  	[smem:$0x3FB5] =	sst s9;
	s0 =	simm.s32 @!p0 $0x0  }
0x12: {  	s1 =	sld [smem:$0x3F9B];
	s0 =	simm.s32 @p0 $0x1  }
0x13: {  	[smem:$0x3FB6] =	sst s0;
	s0 =	simm.s32 @!p1 $0x0  }
0x14: {  	s2 =	sld [smem:$0x3F9A];
	s0 =	simm.s32 @p1 $0x1  }
0x15: {  	[smem:$0x3FB7] =	sst s0;
	s0 =	simm.s32 @!p2 $0x0  }
0x16: {  	s3 =	sld [smem:$0x3FDB];
	s0 =	simm.s32 @p2 $0x1  }
0x17: {  	s4 =	simm.s32 $0x1BF5;
	[smem:$0x3FB9] =	sst s0  }
0x18: {  	s0 =	sld [smem:$0x3F9C];
	_ =	swait.ge [sflag:s4], $0x0  }
0x19: {  	s7 =	sld [smem:$0x3F9D]  }
0x1a: {  	s8 =	sadd.s32 $0xFFFFE003, lr  }
0x1b: {  	s9 =	sadd.s32 $0xFFFFFEF7, lr;
	s5 =	simm.s32 $0xFFFFFFFF;
	p2 =	slt.u32 s8, $0xFFFFF086  }
0x1c: {  	p1 =	slt.u32 s9, $0xF7A;
	s5 =	simm.s32 @!p2 $0x0  }
0x1d: {  	s5 =	simm.s32 @p1 $0x1;
	p0 =	seq.s32 s7, s2  }
0x1e: {  	s7 =	smul.u32 @!p0 $0xF7A, s2;
	p2 =	seq.s32 @!p0 s5, $0x0  }
0x1f: {  	s9 =	smul.u32 $0xF7A, s1;
	s8 =	simm.s32 @!p0 $0x1BF5;
	p2 =	por !p2, p0  }
0x20: {  	[sflag:s8] =	ssyncset.s32 @!p0 $0xFFFFF086;
	s6 =	sadd.s32 @!p0 s3, s7;
	s7 =	simm.s32 @!p0 $0x108  }
0x21: {  	s3 =	sadd.s32 s3, s9;
	s6 =	sadd.s32 @!p0 $0x88, s6;
	s7 =	simm.s32 @p2 $0x1082  }
0x22: {  	[simem:s7], [sflag:s8] =	dma.local @!p0 [hbm:s6], $0xF7A  }
0x23: {  	s9 =	sor.u32 $0xD0000000, s2;
	s6 =	simm.s32 $0x108;
	_ =	swait.ge @!p0 [sflag:s8], $0x0  }
0x24: {  	s3 =	sadd.s32 $0x88, s3;
	s6 =	simm.s32 @!p1 $0x1082;
	[sflag:s4] =	ssyncset.s32 $0xFFFFF086  }
0x25: {  	[simem:s6], [sflag:s4] =	dma.local [hbm:s3], $0xF7A  }
0x26: {  	[smem:$0x3F9D] =	sst s1;
	(tag) =	ssettag s2;
	_ =	strace s9  }
0x27: {  	s1 =	sld [smem:$0x3FAD]  }
0x28: {  	s2 =	sld [smem:$0x3FAE]  }
0x29: {  	s4 =	sld [smem:$0x3FB0]  }
0x2a: {  	p0 =	seq.s32 s5, $0x0;
	s5 =	sld [smem:$0x3FB1]  }
0x2b: {  	s6 =	sld [smem:$0x3FB2]  }
0x2c: {  	s7 =	sld [smem:$0x3FB3]  }
0x2d: {  	s3 =	simm.s32 $0x108;
	s8 =	sld [smem:$0x3FB4]  }
0x2e: {  	s3 =	simm.s32 @!p0 $0x1082;
	s9 =	sld [smem:$0x3FB5]  }
0x2f: {  	lr =	sadd.s32 s0, s3;
	s0 =	sld [smem:$0x3FAC]  }
0x30: {  	s3 =	sld [smem:$0x3FAF]  }
0x31: {  	[smem:$0x3FB8] =	sst s10  }
0x32: {  	s10 =	sld [smem:$0x3FB6];
	_ =	sdelay $0x3  }
0x33: {  	p0 =	seq.s32 s10, $0x1;
	s10 =	sld [smem:$0x3FB8];
	_ =	sdelay $0x3  }
0x34: {  	[smem:$0x3FB8] =	sst s10  }
0x35: {  	s10 =	sld [smem:$0x3FB7];
	_ =	sdelay $0x3  }
0x36: {  	p1 =	seq.s32 s10, $0x1;
	s10 =	sld [smem:$0x3FB8];
	_ =	sdelay $0x3  }
0x37: {  	[smem:$0x3FB8] =	sst s10  }
0x38: {  	s10 =	sld [smem:$0x3FB9]  }
0x39: {  	_ = 	snop;
	(pc) =	sbr.ind lr, $3  }
0x3a: {  	_ = 	snop  }
0x3b: {  	_ = 	snop  }
0x3c: {  	p2 =	seq.s32 s10, $0x1;
	s10 =	sld [smem:$0x3FB8]  }
0x3d: {  	_ =	shalt  }
0x3e: {  	_ =	shalt  }
0x3f: {  	_ =	shalt  }
0x40: {  	_ =	shalt  }
0x41: {  	_ =	shalt  }
0x42: {  	_ =	shalt  }
0x43: {  	_ =	shalt  }
0x44: {  	_ =	shalt  }
0x45: {  	_ =	shalt  }
0x46: {  	_ =	shalt  }
0x47: {  	_ =	shalt  }
0x48: {  	_ =	shalt  }
0x49: {  	_ =	shalt  }
0x4a: {  	_ =	shalt  }
0x4b: {  	_ =	shalt  }
0x4c: {  	_ =	shalt  }
0x4d: {  	_ =	shalt  }
0x4e: {  	_ =	shalt  }
0x4f: {  	_ =	shalt  }
0x50: {  	_ =	shalt  }
0x51: {  	_ =	shalt  }
0x52: {  	_ =	shalt  }
0x53: {  	_ =	shalt  }
0x54: {  	_ =	shalt  }
0x55: {  	_ =	shalt  }
0x56: {  	_ =	shalt  }
0x57: {  	_ =	shalt  }
0x58: {  	_ =	shalt  }
0x59: {  	_ =	shalt  }
0x5a: {  	_ =	shalt  }
0x5b: {  	_ =	shalt  }
0x5c: {  	_ =	shalt  }
0x5d: {  	_ =	shalt  }
0x5e: {  	_ =	shalt  }
0x5f: {  	_ =	shalt  }
0x60: {  	_ =	shalt  }
0x61: {  	_ =	shalt  }
0x62: {  	_ =	shalt  }
0x63: {  	_ =	shalt  }
0x64: {  	_ =	shalt  }
0x65: {  	_ =	shalt  }
0x66: {  	_ =	shalt  }
0x67: {  	_ =	shalt  }
0x68: {  	_ =	shalt  }
0x69: {  	_ =	shalt  }
0x6a: {  	_ =	shalt  }
0x6b: {  	_ =	shalt  }
0x6c: {  	_ =	shalt  }
0x6d: {  	_ =	shalt  }
0x6e: {  	_ =	shalt  }
0x6f: {  	_ =	shalt  }
0x70: {  	_ =	shalt  }
0x71: {  	_ =	shalt  }
0x72: {  	_ =	shalt  }
0x73: {  	_ =	shalt  }
0x74: {  	_ =	shalt  }
0x75: {  	_ =	shalt  }
0x76: {  	_ =	shalt  }
0x77: {  	_ =	shalt  }
0x78: {  	_ =	shalt  }
0x79: {  	_ =	shalt  }
0x7a: {  	_ =	shalt  }
0x7b: {  	_ =	shalt  }
0x7c: {  	_ =	shalt  }
0x7d: {  	_ =	shalt  }
0x7e: {  	_ =	shalt  }
0x7f: {  	_ =	shalt  }
0x80: {  	_ =	shalt  }
0x81: {  	_ =	shalt  }
0x82: {  	_ =	shalt  }
0x83: {  	_ =	shalt  }
0x84: {  	_ =	shalt  }
0x85: {  	_ =	shalt  }
0x86: {  	_ =	shalt  }
0x87: {  	_ =	shalt  }
.Lfunc_end0:
.L_simem_size_0:
called_computation_lowered:
.L_overlay_start_0:
0x88: {  	s2 =	sld [smem:$0x3FD9]  }
0x89: {  	s3 =	sld [smem:$0x3FFE];
	_ =	sdelay $0x1  }
0x8a: {  	s1 =	srdreg.scid  }
0x8b: {  	s0 =	sand.u32 $0x1, s1  }
0x8c: {  	s18 =	sshll.u32 s0, $0xA;
	s2 =	sadd.s32 s3, s2  }
0x8d: {  	s2 =	sadd.s32 s2, s18  }
0x8e: {  	[smem:$0x3FC4] =	sst s2  }
0x8f: {  	_ = 	snop  }
0x90: {  	s2 =	sld [smem:$0x3FC9]  }
0x91: {  	s19 =	sld [smem:$0x3FC8]  }
0x92: {  	s4 =	sld [smem:$0x3FC7]  }
0x93: {  	s5 =	sld [smem:$0x3FC6]  }
0x94: {  	s6 =	sld [smem:$0x3FD0];
	(tm) =	ssettm $0x1  }
0x95: {  	s7 =	sld [smem:$0x3FFB];
	_ =	sdelay $0x3  }
0x96: {  	_ =	strace s7  }
0x97: {  	s7 =	sld [smem:$0x3FFC];
	_ =	sdelay $0x3  }
0x98: {  	_ =	strace s7  }
0x99: {  	s7 =	sld [smem:$0x3FFD];
	_ =	sdelay $0x3  }
0x9a: {  	_ =	strace s7  }
0x9b: {  	_ =	strace $0x8FFFFFFF  }
0x9c: {  	s20 =	sld [smem:$0x3FDB];
	_ =	sdelay $0x1  }
0x9d: {  	s8 =	simm.s32 $_scs_section_size  }
0x9e: {  	s9 =	simm.s32 $_size__tile_overlayer_lowered;
	s10 =	simm.s32 $_tile_overlayer_lowered  }
0x9f: {  	s23 =	simm.s32 $0x1BFF;
	s22 =	sshll.u32 s10, $0x1;
	s7 =	sadd.s32 s8, s20  }
0xa0: {  	s11 =	simm.s32 $0x0;
	s21 =	sshll.u32 s9, $0x1;
	s9 =	sadd.s32 s22, s7  }
0xa1: {  	[timem:s11], [sflag:s23] =	dma.local [hbm:s9], s21  }
0xa2: {  	_ =	swait.ge [sflag:s23], s21  }
0xa3: {  	s8 =	ssub.s32 $0x0, s21;
	[sflag:s23] =	ssyncset.done $0x0  }
0xa4: {  	[sflag:s23] =	ssyncadd.s32 s8;
	_ =	sdelay $0x1  }
0xa5: {  	s24 =	simm.s32 $0x1B8B  }
0xa6: {  	_ =	swait.ge [sflag:s24], $0x1  }
0xa7: {  	[sflag:s24] =	ssyncset.done $0x0  }
0xa8: {  	s25 =	simm.s32 $0x1B8E;
	[sflag:s24] =	ssyncadd.s32 $0xFFFFFFFF  }
0xa9: {  	s26 =	simm.s32 $execute0_lowered;
	[smem:$0x3FD2] =	sst s25  }
0xaa: {  	s8 =	sshll.u32 s26, $0x1;
	_ =	strace $0x80000046;
	[dreg:$0x1] =	wrdreg $0xFFFFFFFF  }
0xab: {  	s28 =	simm.s32 $_size_execute0_lowered;
	s7 =	sadd.s32 s7, s8;
	[dreg:$0x0] =	wrdreg $0x0  }
0xac: {  	s8 =	sshll.u32 s28, $0x1;
	[dreg:$0x2] =	wrdreg s7  }
0xad: {  	[dreg:$0x3] =	wrdreg s8  }
0xae: {  	[dreg:$0x4] =	wrdreg $0xC0  }
0xaf: {  	_ =	task [dreg:s11], $0x5FFFF  }
0xb0: {  	[dreg:$0x1] =	wrdreg $0xFFFFFFFF  }
0xb1: {  	[dreg:$0x0] =	wrdreg $0x60  }
0xb2: {  	[dreg:$0x2] =	wrdreg s2  }
0xb3: {  	[dreg:$0x3] =	wrdreg s19  }
0xb4: {  	[dreg:$0x4] =	wrdreg s4  }
0xb5: {  	[dreg:$0x5] =	wrdreg s5  }
0xb6: {  	[dreg:$0x6] =	wrdreg s6  }
0xb7: {  	[dreg:$0x7] =	wrdreg $0x9  }
0xb8: {  	_ =	task.clear_ibuf [dreg:s11], $0x8FFFF;
	_ =	strace $0x90000046  }
0xb9: {  	s29 =	simm.s32 $0x9;
	_ =	strace $0x80000048  }
0xba: {  	_ =	swait.ge [sflag:s29], $0x1  }
0xbb: {  	[sflag:s29] =	ssyncadd.s32 $0xFFFFFFFF  }
0xbc: {  	_ =	strace $0x90000048  }
0xbd: {  	_ =	sfence  }
0xbe: {  	s30 =	sld [smem:$0x0];
	_ =	sdelay $0x2  }
0xbf: {  	s31 =	sshll.u32 s1, $0xD;
	s1 =	sshrl.u32 s1, $0x2  }
0xc0: {  	s3 =	sand.u32 $0x4000, s31;
	s1 =	sadd.s32 s1, s30  }
0xc1: {  	s0 =	sor.u32 s3, s0;
	s1 =	sshll.u32 s1, $0x11  }
0xc2: {  	s0 =	sor.u32 s1, s0  }
0xc3: {  	s0 =	sadd.s32 $0x8F2B, s0  }
0xc4: {  	[sflag:s0] =	ssyncadd.remote.s32 $0x1  }
0xc5: {  	_ =	sfence.sel $0xFFFF  }
0xc6: {  	[dreg:$0x0] =	wrdreg $0xFFFFFFFF;
	(pc) =	sbr.abs _section_cstart, $3  }
0xc7: {  	[dreg:$0x1] =	wrdreg $0xFFFFFFFF  }
0xc8: {  	_ =	task.clear_ibuf [dreg:s11], $0x2FFFF;
	_ =	strace $0x9FFFFFFF  }
0xc9: {  	(tm) =	ssettm $0x7FFFFFFF  }
tec
execute0_lowered:
.L_overlay_start_1:
0x0: {  	(tag) =	ssettag $0x1  }
0x1: {  	v1 =	vlaneseq.u32;
	v13 =	vimm.s32 $0x74533211  }
0x2: {  	v15 =	vimm.s32 $0xF8D7B695;
	vm8 =	vcmask $0xF00;
	vm7 =	vcmask $0x1F10  }
0x3: {  	vm6 =	vcmask $0x2320;
	vm4 =	vcmask $0x2724;
	vm2 =	vcmask $0x2B28  }
0x4: {  	v19 =	vimm.s32 $0x75543312;
	vm1 =	vcmask $0x2F2C;
	v21 =	vimm.s32 $0xF9D8B796  }
0x5: {  	vm0 =	vcmask $0x3330;
	v22 =	vimm.s32 $0x76553413;
	v23 =	vimm.s32 $0xFAD9B897  }
0x6: {  	vm3 =	vcmask $0x3734;
	vm5 =	vcmask $0x3B38;
	v24 =	vimm.s32 $0x78573615  }
0x7: {  	v25 =	vimm.s32 $0x79583716;
	v26 =	vimm.s32 $0xFDDCBB9A;
	v27 =	vimm.s32 $0x7B5A3918  }
0x8: {  	v28 =	vimm.s32 $0xE0DFBE9D;
	v29 =	vimm.s32 $0xE1C0BF9E;
	v30 =	vimm.s32 $0x7E5D3C1B  }
0x9: {  	v31 =	vimm.s32 $0xE2C1A09F;
	v32 =	vimm.s32 $0xE3C2A180;
	v58 =	vimm.s32 $0x605F3E1D  }
0xa: {  	v33 =	vimm.s32 $0xE4C3A281;
	v60 =	vimm.s32 $0x61403F1E;
	v62 =	vimm.s32 $0xE5C4A382  }
0xb: {  	v63 =	vimm.s32 $0x6241201F;
	v34 =	vimm.s32 $0xE6C5A483;
	v0 =	vmul.u32 $0x80, v1  }
0xc: {  	v1 =	vmul.u32 $0x21, v1;
	v16 =	vunpack.c.0.s8.s32 v13;
	v17 =	vunpack.c.0.s8.s32 v15  }
0xd: {  	v19 =	vunpack.c.0.s8.s32 v19;
	v21 =	vunpack.c.0.s8.s32 v21;
	v22 =	vunpack.c.0.s8.s32 v22  }
0xe: {  	v25 =	vunpack.c.0.s8.s32 v25;
	v28 =	vunpack.c.0.s8.s32 v28;
	v29 =	vunpack.c.0.s8.s32 v29  }
0xf: {  	v30 =	vunpack.c.0.s8.s32 v30;
	v31 =	vunpack.c.0.s8.s32 v31;
	v33 =	vunpack.c.0.s8.s32 v33  }
0x10: {  	v61 =	vunpack.c.0.s8.s32 v60;
	v34 =	vunpack.c.0.s8.s32 v34;
	v2 =	vor.u32 $0x800, v0  }
0x11: {  	v3 =	vadd.s32 $0x1, v1;
	v4 =	vadd.s32 $0x2, v1;
	v5 =	vadd.s32 $0x3, v1  }
0x12: {  	v6 =	vadd.s32 $0x4, v1;
	v7 =	vadd.s32 $0x5, v1;
	v8 =	vadd.s32 $0x6, v1  }
0x13: {  	v9 =	vadd.s32 $0x7, v1;
	v10 =	vadd.s32 $0x8, v1;
	v11 =	vadd.s32 $0x9, v1  }
0x14: {  	v12 =	vadd.s32 $0xA, v1;
	v13 =	vadd.s32 $0xB, v1;
	v14 =	vadd.s32 $0xC, v1  }
0x15: {  	v15 =	vadd.s32 $0xD, v1;
	v16 =	vand.u32 $0xFF, v16;
	v17 =	vand.u32 $0xFF, v17  }
0x16: {  	v19 =	vand.u32 $0xFF, v19;
	v21 =	vand.u32 $0xFF, v21;
	v22 =	vand.u32 $0xFF, v22  }
0x17: {  	v25 =	vand.u32 $0xFF, v25;
	v28 =	vand.u32 $0xFF, v28;
	v29 =	vand.u32 $0xFF, v29  }
0x18: {  	v30 =	vand.u32 $0xFF, v30;
	v31 =	vand.u32 $0xFF, v31;
	v59 =	vand.u32 $0xFF, v33  }
0x19: {  	v33 =	vunpack.c.0.s8.s32 v62;
	v34 =	vand.u32 $0xFF, v34;
	v18 =	vnsel vm8, $0x1E0, v16  }
0x1a: {  	v16 =	vadd.s32 $0xE, v1;
	v19 =	vnsel vm8, $0x1E1, v19;
	v22 =	vnsel vm8, $0x1E2, v22  }
0x1b: {  	v25 =	vnsel vm8, $0x1E5, v25;
	v18 =	vsel vm7, v17, v18;
	v17 =	vadd.s32 $0xF, v1  }
0x1c: {  	v19 =	vsel vm7, v21, v19;
	v21 =	vunpack.c.0.s8.s32 v23;
	v18 =	vsel vm6, $0x119, v18  }
0x1d: {  	v33 =	vand.u32 $0xFF, v33;
	v19 =	vsel vm6, $0x11A, v19;
	v18 =	vsel vm4, $0x13A, v18  }
0x1e: {  	v19 =	vsel vm4, $0x13B, v19;
	v21 =	vand.u32 $0xFF, v21;
	v20 =	vsel vm2, $0x15B, v18  }
0x1f: {  	v23 =	vsel vm2, $0x15C, v19;
	v21 =	vsel vm7, v21, v22;
	v20 =	vsel vm1, $0x17C, v20  }
0x20: {  	v22 =	vimm.s32 $0x77563514;
	v21 =	vsel vm6, $0x11B, v21;
	v20 =	vsel vm0, $0x19D, v20  }
0x21: {  	v22 =	vunpack.c.0.s8.s32 v22;
	v21 =	vsel vm4, $0x13C, v21;
	v20 =	vsel vm3, $0x1BE, v20  }
0x22: {  	v19 =	vsel vm5, $0x1DF, v20;
	v20 =	vsel vm1, $0x17D, v23;
	v23 =	vimm.s32 $0xFBDAB998  }
0x23: {  	v21 =	vsel vm2, $0x15D, v21;
	v22 =	vand.u32 $0xFF, v22;
	v23 =	vunpack.c.0.s8.s32 v23  }
0x24: {  	v18 =	vadd.s32 $0x10, v1;
	v21 =	vsel vm1, $0x17E, v21;
	v22 =	vnsel vm8, $0x1E3, v22  }
0x25: {  	v20 =	vsel vm0, $0x19E, v20;
	v21 =	vsel vm0, $0x19F, v21;
	v23 =	vand.u32 $0xFF, v23  }
0x26: {  	v22 =	vsel vm7, v23, v22;
	v23 =	vunpack.c.0.s8.s32 v24;
	v24 =	vimm.s32 $0xFCDBBA99  }
0x27: {  	v20 =	vsel vm3, $0x1BF, v20;
	v21 =	vsel vm3, $0x1A0, v21;
	v24 =	vunpack.c.0.s8.s32 v24  }
0x28: {  	v20 =	vsel vm5, $0x1C0, v20;
	v22 =	vsel vm6, $0x11C, v22;
	v23 =	vand.u32 $0xFF, v23  }
0x29: {  	v22 =	vsel vm4, $0x13D, v22;
	v23 =	vnsel vm8, $0x1E4, v23;
	v24 =	vand.u32 $0xFF, v24  }
0x2a: {  	v22 =	vsel vm2, $0x15E, v22;
	v23 =	vsel vm7, v24, v23;
	v24 =	vunpack.c.0.s8.s32 v26  }
0x2b: {  	v21 =	vsel vm5, $0x1C1, v21;
	v22 =	vsel vm1, $0x17F, v22;
	v26 =	vimm.s32 $0xFEDDBC9B  }
0x2c: {  	v22 =	vsel vm0, $0x180, v22;
	v23 =	vsel vm6, $0x11D, v23;
	v24 =	vand.u32 $0xFF, v24  }
0x2d: {  	v26 =	vunpack.c.0.s8.s32 v26;
	v24 =	vsel vm7, v24, v25;
	v25 =	vimm.s32 $0x7A593817  }
0x2e: {  	v23 =	vsel vm4, $0x13E, v23;
	v22 =	vsel vm3, $0x1A1, v22;
	v25 =	vunpack.c.0.s8.s32 v25  }
0x2f: {  	v23 =	vsel vm2, $0x15F, v23;
	v22 =	vsel vm5, $0x1C2, v22;
	v24 =	vsel vm6, $0x11E, v24  }
0x30: {  	v26 =	vand.u32 $0xFF, v26;
	v24 =	vsel vm4, $0x13F, v24;
	v25 =	vand.u32 $0xFF, v25  }
0x31: {  	v23 =	vsel vm1, $0x160, v23;
	v24 =	vsel vm2, $0x140, v24;
	v25 =	vnsel vm8, $0x1E6, v25  }
0x32: {  	v25 =	vsel vm7, v26, v25;
	v26 =	vunpack.c.0.s8.s32 v27;
	v27 =	vimm.s32 $0xFFDEBD9C  }
0x33: {  	v23 =	vsel vm0, $0x181, v23;
	v24 =	vsel vm1, $0x161, v24;
	v27 =	vunpack.c.0.s8.s32 v27  }
0x34: {  	v23 =	vsel vm3, $0x1A2, v23;
	v24 =	vsel vm0, $0x182, v24;
	v26 =	vand.u32 $0xFF, v26  }
0x35: {  	v25 =	vsel vm6, $0x11F, v25;
	v26 =	vnsel vm8, $0x1E7, v26;
	v27 =	vand.u32 $0xFF, v27  }
0x36: {  	v25 =	vsel vm4, $0x120, v25;
	v26 =	vsel vm7, v27, v26;
	v27 =	vimm.s32 $0x7C5B3A19  }
0x37: {  	v24 =	vsel vm3, $0x1A3, v24;
	v25 =	vsel vm2, $0x141, v25;
	v27 =	vunpack.c.0.s8.s32 v27  }
0x38: {  	v23 =	vsel vm5, $0x1C3, v23;
	v24 =	vsel vm5, $0x1C4, v24;
	v25 =	vsel vm1, $0x162, v25  }
0x39: {  	v26 =	vsel vm6, $0x100, v26;
	v25 =	vsel vm0, $0x183, v25;
	v27 =	vand.u32 $0xFF, v27  }
0x3a: {  	v26 =	vsel vm4, $0x121, v26;
	v25 =	vsel vm3, $0x1A4, v25;
	v27 =	vnsel vm8, $0x1E8, v27  }
0x3b: {  	v26 =	vsel vm2, $0x142, v26;
	v27 =	vsel vm7, v28, v27;
	v28 =	vimm.s32 $0x7D5C3B1A  }
0x3c: {  	v26 =	vsel vm1, $0x163, v26;
	v27 =	vsel vm6, $0x101, v27;
	v28 =	vunpack.c.0.s8.s32 v28  }
0x3d: {  	v25 =	vsel vm5, $0x1C5, v25;
	v26 =	vsel vm0, $0x184, v26;
	v27 =	vsel vm4, $0x122, v27  }
0x3e: {  	v26 =	vsel vm3, $0x1A5, v26;
	v27 =	vsel vm2, $0x143, v27;
	v28 =	vand.u32 $0xFF, v28  }
0x3f: {  	v26 =	vsel vm5, $0x1C6, v26;
	v27 =	vsel vm1, $0x164, v27;
	v28 =	vnsel vm8, $0x1E9, v28  }
0x40: {  	v28 =	vsel vm7, v29, v28;
	v29 =	vnsel vm8, $0x1EA, v30;
	v30 =	vimm.s32 $0x7F5E3D1C  }
0x41: {  	v27 =	vsel vm0, $0x185, v27;
	v30 =	vunpack.c.0.s8.s32 v30;
	v29 =	vsel vm7, v31, v29  }
0x42: {  	v31 =	vunpack.c.0.s8.s32 v32;
	v27 =	vsel vm3, $0x1A6, v27;
	v28 =	vsel vm6, $0x102, v28  }
0x43: {  	v32 =	vunpack.c.0.s8.s32 v58;
	v27 =	vsel vm5, $0x1C7, v27;
	v28 =	vsel vm4, $0x123, v28  }
0x44: {  	v29 =	vsel vm6, $0x103, v29;
	v30 =	vand.u32 $0xFF, v30;
	v31 =	vand.u32 $0xFF, v31  }
0x45: {  	v28 =	vsel vm2, $0x144, v28;
	v29 =	vsel vm4, $0x124, v29;
	v30 =	vnsel vm8, $0x1EB, v30  }
0x46: {  	v28 =	vsel vm1, $0x165, v28;
	v29 =	vsel vm2, $0x145, v29;
	v30 =	vsel vm7, v31, v30  }
0x47: {  	v31 =	vand.u32 $0xFF, v32;
	v32 =	vand.u32 $0xFF, v61;
	v28 =	vsel vm0, $0x186, v28  }
0x48: {  	s2 =	rddreg [dreg:$0x0];
	v29 =	vsel vm1, $0x166, v29;
	v31 =	vnsel vm8, $0x1EC, v31;
	v32 =	vnsel vm8, $0x1ED, v32  }
0x49: {  	s3 =	rddreg [dreg:$0x1];
	v28 =	vsel vm3, $0x1A7, v28;
	v30 =	vsel vm6, $0x104, v30;
	v29 =	vsel vm0, $0x187, v29  }
0x4a: {  	s0 =	rddreg [dreg:$0x2];
	v31 =	vsel vm7, v59, v31;
	v32 =	vsel vm7, v33, v32;
	v33 =	vunpack.c.0.s8.s32 v63  }
0x4b: {  	s1 =	rddreg [dreg:$0x3];
	v30 =	vsel vm4, $0x125, v30;
	v28 =	vsel vm5, $0x1C8, v28;
	v29 =	vsel vm3, $0x1A8, v29  }
0x4c: {  	s7 =	rddreg [dreg:$0x4];
	s5 =	srdreg.scid;
	v30 =	vsel vm2, $0x146, v30;
	v29 =	vsel vm5, $0x1C9, v29;
	v33 =	vand.u32 $0xFF, v33  }
0x4d: {  	s4 =	simm.s32 $0x0;
	s8 =	stileid.u32;
	s10 =	simm.s32 $0x400;
	v31 =	vsel vm6, $0x105, v31;
	v32 =	vsel vm6, $0x106, v32;
	v33 =	vnsel vm8, $0x1EE, v33  }
0x4e: {  	s11 =	simm.s32 $0x7A1400;
	s12 =	simm.s32 $0x500;
	s13 =	simm.s32 $0xA500;
	v30 =	vsel vm1, $0x167, v30;
	v31 =	vsel vm4, $0x126, v31;
	v33 =	vsel vm7, v34, v33  }
0x4f: {  	s23 =	simm.s32 $0xF500;
	s24 =	simm.s32 $0x6500;
	s25 =	simm.s32 $0x10500;
	v32 =	vsel vm4, $0x127, v32;
	v30 =	vsel vm0, $0x188, v30;
	v33 =	vsel vm6, $0x107, v33  }
0x50: {  	s26 =	simm.s32 $0x14500;
	s28 =	simm.s32 $0x18500;
	s29 =	simm.s32 $0x1C500;
	v31 =	vsel vm2, $0x147, v31;
	v32 =	vsel vm2, $0x148, v32;
	v33 =	vsel vm4, $0x128, v33  }
0x51: {  	s30 =	simm.s32 $0x0;
	s5 =	sand.u32 $0x1, s5;
	s8 =	sshll.u32 s8, $0x7;
	v30 =	vsel vm3, $0x1A9, v30;
	v31 =	vsel vm1, $0x168, v31;
	v33 =	vsel vm2, $0x149, v33  }
0x52: {  	[smem:$0x7FF] =	sst s4;
	s6 =	ssub.s32 $0x2, s5;
	s5 =	sshll.u32 s5, $0x6;
	v32 =	vsel vm1, $0x169, v32;
	v30 =	vsel vm5, $0x1CA, v30;
	v33 =	vsel vm1, $0x16A, v33  }
0x53: {  	_ =	strace $0x80000047;
	s9 =	sshrl.u32 s6, $0x1;
	s8 =	sor.u32 s5, s8;
	v31 =	vsel vm0, $0x189, v31;
	v32 =	vsel vm0, $0x18A, v32;
	v33 =	vsel vm0, $0x18B, v33  }
0x54: {  	s9 =	ssub.s32 s6, s9;
	s5 =	sadd.s32 s2, s8;
	s6 =	sadd.s32 s3, s8;
	v31 =	vsel vm3, $0x1AA, v31;
	v32 =	vsel vm3, $0x1AB, v32;
	v33 =	vsel vm3, $0x1AC, v33  }
0x55: {  	s7 =	sadd.s32 s7, s8;
	s8 =	simm.s32 $0x15;
	s9 =	smax.u32 s9, $0x1;
	v31 =	vsel vm5, $0x1CB, v31;
	v32 =	vsel vm5, $0x1CC, v32;
	v33 =	vsel vm5, $0x1CD, v33  }
.LBB2_1:
0x56: {  	[tilespmem:s4], [sflag:$0x15] =	stream.linear.gather [hbm4b:s5+s4], $0x200, $0x38;
	[tilespmem:$0x1C700] =	vst v63  }
0x57: {  	_ =	swait.ge [sflag:s8], $0x200  }
0x58: {  	[sflag:s8] =	ssyncset.done $0x0  }
0x59: {  	s2 =	simm.s32 $0x280;
	[sflag:s8] =	ssyncadd.s32 $0xFFFFFE00  }
0x5a: {  	[tilespmem:s2], [sflag:$0x15] =	stream.linear.gather [hbm4b:s6+s4], $0x200, $0x38;
	[tilespmem:$0x1C700] =	vst v63  }
0x5b: {  	_ =	swait.ge [sflag:s8], $0x200  }
0x5c: {  	[sflag:s8] =	ssyncset.done $0x0  }
0x5d: {  	[sflag:s8] =	ssyncadd.s32 $0xFFFFFE00  }
0x5e: {  	v34 =	vld [tilespmem:$0x0];
	_ =	sdelay $0x4  }
0x5f: {  	(v2sf) =	vpush v34, $0x0;
	_ =	sdelay $0xe  }
0x60: {  	s3 =	spop (v2sf)  }
0x61: {  	s3 =	sand.u32 $0xFFFFF80, s3  }
0x62: {  	s3 =	sadd.s32 s0, s3  }
0x63: {  	[tilespmem:s12], [sflag:$0x1] =	stream.strided.gather [hbm4b:s3+s10], $0x1000, s11, s10, $0x38;
	[tilespmem:$0x1C700] =	vst v63  }
0x64: {  	v48 =	vld [tilespmem:$0x280];
	_ =	sdelay $0x4  }
0x65: {  	(v2sf) =	vpush v48, $0x0;
	_ =	sdelay $0xe  }
0x66: {  	s22 =	spop (v2sf)  }
0x67: {  	s3 =	sand.u32 $0xFFFFF80, s22  }
0x68: {  	s3 =	sadd.s32 s1, s3  }
0x69: {  	[tilespmem:s13], [sflag:$0xB] =	stream.strided.gather [hbm4b:s3+s10], $0x1000, s11, s10, $0x38;
	[tilespmem:$0x1C700] =	vst v63  }
0x6a: {  	v49 =	vld [tilespmem:$0x1];
	_ =	sdelay $0x4  }
0x6b: {  	(v2sf) =	vpush v49, $0x0;
	_ =	sdelay $0xe  }
0x6c: {  	s14 =	spop (v2sf)  }
0x6d: {  	s3 =	sand.u32 $0xFFFFF80, s14  }
0x6e: {  	s14 =	simm.s32 $0x1500;
	s3 =	sadd.s32 s0, s3  }
0x6f: {  	[tilespmem:s14], [sflag:$0x2] =	stream.strided.gather [hbm4b:s3+s10], $0x1000, s11, s10, $0x38;
	[tilespmem:$0x1C700] =	vst v63  }
0x70: {  	v50 =	vld [tilespmem:$0x281];
	_ =	sdelay $0x4  }
0x71: {  	(v2sf) =	vpush v50, $0x0;
	_ =	sdelay $0xe  }
0x72: {  	s15 =	spop (v2sf)  }
0x73: {  	s3 =	sand.u32 $0xFFFFF80, s15  }
0x74: {  	s16 =	simm.s32 $0xB500;
	s3 =	sadd.s32 s1, s3  }
0x75: {  	[tilespmem:s16], [sflag:$0xC] =	stream.strided.gather [hbm4b:s3+s10], $0x1000, s11, s10, $0x38;
	[tilespmem:$0x1C700] =	vst v63  }
0x76: {  	v51 =	vld [tilespmem:$0x2];
	_ =	sdelay $0x4  }
0x77: {  	(v2sf) =	vpush v51, $0x0;
	_ =	sdelay $0xe  }
0x78: {  	s17 =	spop (v2sf)  }
0x79: {  	s3 =	sand.u32 $0xFFFFF80, s17  }
0x7a: {  	s18 =	simm.s32 $0x2500;
	s3 =	sadd.s32 s0, s3  }
0x7b: {  	[tilespmem:s18], [sflag:$0x3] =	stream.strided.gather [hbm4b:s3+s10], $0x1000, s11, s10, $0x38;
	[tilespmem:$0x1C700] =	vst v63  }
0x7c: {  	v52 =	vld [tilespmem:$0x282];
	_ =	sdelay $0x4  }
0x7d: {  	(v2sf) =	vpush v52, $0x0;
	_ =	sdelay $0xe  }
0x7e: {  	s19 =	spop (v2sf)  }
0x7f: {  	s3 =	sand.u32 $0xFFFFF80, s19  }
0x80: {  	s20 =	simm.s32 $0xC500;
	s3 =	sadd.s32 s1, s3  }
0x81: {  	[tilespmem:s20], [sflag:$0xD] =	stream.strided.gather [hbm4b:s3+s10], $0x1000, s11, s10, $0x38;
	[tilespmem:$0x1C700] =	vst v63  }
0x82: {  	v53 =	vld [tilespmem:$0x3];
	_ =	sdelay $0x4  }
0x83: {  	(v2sf) =	vpush v53, $0x0;
	_ =	sdelay $0xe  }
0x84: {  	s21 =	spop (v2sf)  }
0x85: {  	s3 =	sand.u32 $0xFFFFF80, s21  }
0x86: {  	s22 =	simm.s32 $0x3500;
	s3 =	sadd.s32 s0, s3  }
0x87: {  	[tilespmem:s22], [sflag:$0x4] =	stream.strided.gather [hbm4b:s3+s10], $0x1000, s11, s10, $0x38;
	[tilespmem:$0x1C700] =	vst v63  }
0x88: {  	v54 =	vld [tilespmem:$0x283];
	_ =	sdelay $0x4  }
0x89: {  	(v2sf) =	vpush v54, $0x0;
	_ =	sdelay $0xe  }
0x8a: {  	s15 =	spop (v2sf)  }
0x8b: {  	s3 =	sand.u32 $0xFFFFF80, s15  }
0x8c: {  	s16 =	simm.s32 $0xD500;
	s3 =	sadd.s32 s1, s3  }
0x8d: {  	[tilespmem:s16], [sflag:$0xE] =	stream.strided.gather [hbm4b:s3+s10], $0x1000, s11, s10, $0x38;
	[tilespmem:$0x1C700] =	vst v63  }
0x8e: {  	v55 =	vld [tilespmem:$0x4];
	_ =	sdelay $0x4  }
0x8f: {  	(v2sf) =	vpush v55, $0x0;
	_ =	sdelay $0xe  }
0x90: {  	s17 =	spop (v2sf)  }
0x91: {  	s3 =	sand.u32 $0xFFFFF80, s17  }
0x92: {  	s18 =	simm.s32 $0x4500;
	s3 =	sadd.s32 s0, s3  }
0x93: {  	[tilespmem:s18], [sflag:$0x5] =	stream.strided.gather [hbm4b:s3+s10], $0x1000, s11, s10, $0x38;
	[tilespmem:$0x1C700] =	vst v63  }
0x94: {  	v56 =	vld [tilespmem:$0x284];
	_ =	sdelay $0x4  }
0x95: {  	(v2sf) =	vpush v56, $0x0;
	_ =	sdelay $0xe  }
0x96: {  	s19 =	spop (v2sf)  }
0x97: {  	s3 =	sand.u32 $0xFFFFF80, s19  }
0x98: {  	s20 =	simm.s32 $0xE500;
	s3 =	sadd.s32 s1, s3  }
0x99: {  	[tilespmem:s20], [sflag:$0xF] =	stream.strided.gather [hbm4b:s3+s10], $0x1000, s11, s10, $0x38;
	[tilespmem:$0x1C700] =	vst v63  }
0x9a: {  	v57 =	vld [tilespmem:$0x5];
	_ =	sdelay $0x4  }
0x9b: {  	(v2sf) =	vpush v57, $0x0;
	_ =	sdelay $0xe  }
0x9c: {  	s21 =	spop (v2sf)  }
0x9d: {  	s3 =	sand.u32 $0xFFFFF80, s21  }
0x9e: {  	s22 =	simm.s32 $0x5500;
	s3 =	sadd.s32 s0, s3  }
0x9f: {  	[tilespmem:s22], [sflag:$0x6] =	stream.strided.gather [hbm4b:s3+s10], $0x1000, s11, s10, $0x38;
	[tilespmem:$0x1C700] =	vst v63  }
0xa0: {  	v58 =	vld [tilespmem:$0x285];
	_ =	sdelay $0x4  }
0xa1: {  	(v2sf) =	vpush v58, $0x0;
	_ =	sdelay $0xe  }
0xa2: {  	s14 =	spop (v2sf)  }
0xa3: {  	s3 =	sand.u32 $0xFFFFF80, s14  }
0xa4: {  	s3 =	sadd.s32 s1, s3  }
0xa5: {  	[tilespmem:s23], [sflag:$0x10] =	stream.strided.gather [hbm4b:s3+s10], $0x1000, s11, s10, $0x38;
	[tilespmem:$0x1C700] =	vst v63  }
0xa6: {  	v59 =	vld [tilespmem:$0x6];
	_ =	sdelay $0x4  }
0xa7: {  	(v2sf) =	vpush v59, $0x0;
	_ =	sdelay $0xe  }
0xa8: {  	s15 =	spop (v2sf)  }
0xa9: {  	s3 =	sand.u32 $0xFFFFF80, s15  }
0xaa: {  	s3 =	sadd.s32 s0, s3  }
0xab: {  	[tilespmem:s24], [sflag:$0x7] =	stream.strided.gather [hbm4b:s3+s10], $0x1000, s11, s10, $0x38;
	[tilespmem:$0x1C700] =	vst v63  }
0xac: {  	v60 =	vld [tilespmem:$0x286];
	_ =	sdelay $0x4  }
0xad: {  	(v2sf) =	vpush v60, $0x0;
	_ =	sdelay $0xe  }
0xae: {  	s16 =	spop (v2sf)  }
0xaf: {  	s3 =	sand.u32 $0xFFFFF80, s16  }
0xb0: {  	s3 =	sadd.s32 s1, s3  }
0xb1: {  	[tilespmem:s25], [sflag:$0x11] =	stream.strided.gather [hbm4b:s3+s10], $0x1000, s11, s10, $0x38;
	[tilespmem:$0x1C700] =	vst v63  }
0xb2: {  	v61 =	vld [tilespmem:s4+$0x0];
	_ =	sdelay $0x1  }
0xb3: {  	v35 =	vld [tilespmem:s2+$0x0];
	_ =	sdelay $0x2  }
0xb4: {  	(v2sf) =	vpush v61, $0x0;
	_ =	sdelay $0x1  }
0xb5: {  	(v2sf) =	vpush v35, $0x0;
	_ =	sdelay $0x3  }
0xb6: {  	s17 =	smul.u32 $0xCCCD, s4;
	_ =	sdelay $0x1  }
0xb7: {  	s3 =	sshrl.u32 s17, $0x13  }
0xb8: {  	s3 =	smul.u32 $0xA, s3;
	_ =	sdelay $0x1  }
0xb9: {  	s3 =	ssub.s32 $0x0, s3  }
0xba: {  	s3 =	sand.u32 $0xFFFF, s3  }
0xbb: {  	s18 =	sshll.u32 s3, $0x5;
	s15 =	sadd.s32 $0x1, s3  }
0xbc: {  	v62 =	vmov s18;
	_ =	swait.ge [sflag:s15], $0x1000  }
0xbd: {  	v34 =	vshll.u32 v62, $0x7;
	s19 =	spop (v2sf)  }
0xbe: {  	v63 =	vor.u32 v0, v34;
	s14 =	sand.u32 $0x7F, s19  }
0xbf: {  	v34 =	vor.u32 v2, v34;
	[sflag:s15] =	ssyncset.done $0x0;
	s16 =	spop (v2sf);
	v36 =	vor.u32 s14, v63  }
0xc0: {  	s3 =	sadd.s32 $0xB, s3;
	[sflag:s15] =	ssyncadd.s32 $0xFFFFF000;
	v37 =	vor.u32 s14, v34;
	s20 =	sand.u32 $0x7F, s16  }
0xc1: {  	_ =	swait.ge [sflag:s3], $0x1000;
	v35 =	vor.u32 s20, v63  }
0xc2: {  	v34 =	vor.u32 s20, v34;
	[sflag:s3] =	ssyncset.done $0x0  }
0xc3: {  	[sflag:s3] =	ssyncadd.s32 $0xFFFFF000  }
0xc4: {  	v36 =	vld.idx.msk [tilespmem:v36+s12+$0x0], $0xffff  }
0xc5: {  	v37 =	vld.idx.msk [tilespmem:v37+s12+$0x0], $0xffff  }
0xc6: {  	v35 =	vld.idx.msk [tilespmem:v35+s13+$0x0], $0xffff  }
0xc7: {  	v34 =	vld.idx.msk [tilespmem:v34+s13+$0x0], $0xffff  }
0xc8: {  	s21 =	simm.s32 $0x14510  }
0xc9: {  	[tilespmem:s21+$0xFFFFFFF0] =	vst v36  }
0xca: {  	s22 =	simm.s32 $0x18510;
	[tilespmem:s21+$0x0] =	vst v37  }
0xcb: {  	[tilespmem:s22+$0xFFFFFFF0] =	vst v35  }
0xcc: {  	p1 =	por $0x0, $0x0;
	[tilespmem:s22+$0x0] =	vst v34  }
0xcd: {  	v34 =	vld @!p1 [tilespmem:s4+$0x7];
	_ =	sdelay $0x4  }
0xce: {  	(v2sf) =	vpush @!p1 v34, $0x0;
	_ =	sdelay $0x7  }
0xcf: {  	s3 =	simm.s32 @!p1 $0x7  }
0xd0: {  	s3 =	smul.u32 @!p1 $0xCCCD, s3;
	_ =	sdelay $0x1  }
0xd1: {  	s3 =	sshrl.u32 @!p1 s3, $0x13  }
0xd2: {  	s3 =	smul.u32 @!p1 $0xA, s3;
	_ =	sdelay $0x1  }
0xd3: {  	s3 =	ssub.s32 @!p1 $0x7, s3  }
0xd4: {  	s19 =	simm.s32 @!p1 $0x7A1400;
	s14 =	sand.u32 @!p1 $0xFFFF, s3;
	s3 =	spop @!p1 (v2sf)  }
0xd5: {  	s20 =	simm.s32 @!p1 $0x400;
	s15 =	sshll.u32 @!p1 s14, $0xC;
	s3 =	sand.u32 @!p1 $0xFFFFF80, s3  }
0xd6: {  	s16 =	sadd.s32 @!p1 $0x1, s14;
	s17 =	sor.u32 @!p1 $0x500, s15;
	s3 =	sadd.s32 @!p1 s0, s3  }
0xd7: {  	[tilespmem:s17], [sflag:s16] =	stream.strided.gather @!p1 [hbm4b:s3+s20], $0x1000, s19, s20, $0x38;
	[tilespmem:$0x1C700] =	vst v63  }
0xd8: {  	v34 =	vld @!p1 [tilespmem:s2+$0x7];
	_ =	sdelay $0x4  }
0xd9: {  	(v2sf) =	vpush @!p1 v34, $0x0;
	_ =	sdelay $0xa  }
0xda: {  	s31 =	simm.s32 $0x18530;
	s18 =	sadd.s32 @!p1 $0xA500, s15;
	s15 =	simm.s32 $0x0  }
0xdb: {  	s3 =	simm.s32 $0x1;
	s17 =	sadd.s32 @!p1 $0xB, s14;
	s14 =	simm.s32 $0x14530  }
.LBB2_2:
0xdc: {  	s15 =	sadd.s32 $0x1, s15  }
0xdd: {  	s2 =	sadd.s32 $0x1, s2;
	s16 =	smov.u32 s3;
	s3 =	sadd.s32 $0x1, s3  }
0xde: {  	p0 =	sne.s32 s3, $0x200;
	s21 =	spop @!p1 (v2sf)  }
0xdf: {  	s21 =	sand.u32 @!p1 $0xFFFFF80, s21  }
0xe0: {  	s21 =	sadd.s32 @!p1 s1, s21  }
0xe1: {  	[tilespmem:s18], [sflag:s17] =	stream.strided.gather @!p1 [hbm4b:s21+s20], $0x1000, s19, s20, $0x38;
	[tilespmem:$0x1C700] =	vst v63  }
0xe2: {  	v34 =	vld [tilespmem:s15+$0x0]  }
0xe3: {  	v35 =	vld [tilespmem:s2+$0x0];
	_ =	sdelay $0x3  }
0xe4: {  	(v2sf) =	vpush v34, $0x0  }
0xe5: {  	(v2sf) =	vpush v35, $0x0;
	_ =	sdelay $0x4  }
0xe6: {  	s17 =	smul.u32 $0xCCCD, s16;
	_ =	sdelay $0x1  }
0xe7: {  	s17 =	sshrl.u32 s17, $0x13  }
0xe8: {  	s17 =	smul.u32 $0xA, s17;
	_ =	sdelay $0x1  }
0xe9: {  	s17 =	ssub.s32 s16, s17  }
0xea: {  	s17 =	sand.u32 $0xFFFF, s17  }
0xeb: {  	s18 =	sshll.u32 s17, $0x5;
	s19 =	sadd.s32 $0x1, s17  }
0xec: {  	v34 =	vmov s18;
	_ =	swait.ge [sflag:s19], $0x1000  }
0xed: {  	v34 =	vshll.u32 v34, $0x7;
	[sflag:s19] =	ssyncset.done $0x0;
	s18 =	spop (v2sf)  }
0xee: {  	v35 =	vor.u32 v0, v34;
	v34 =	vor.u32 v2, v34;
	[sflag:s19] =	ssyncadd.s32 $0xFFFFF000;
	s18 =	sand.u32 $0x7F, s18;
	s19 =	spop (v2sf)  }
0xef: {  	v36 =	vor.u32 s18, v35;
	v37 =	vor.u32 s18, v34;
	s18 =	sand.u32 $0x7F, s19  }
0xf0: {  	s17 =	sadd.s32 $0xB, s17;
	v35 =	vor.u32 s18, v35;
	v34 =	vor.u32 s18, v34  }
0xf1: {  	_ =	swait.ge [sflag:s17], $0x1000  }
0xf2: {  	[sflag:s17] =	ssyncset.done $0x0  }
0xf3: {  	[sflag:s17] =	ssyncadd.s32 $0xFFFFF000  }
0xf4: {  	v36 =	vld.idx.msk [tilespmem:v36+s12+$0x0], $0xffff  }
0xf5: {  	v37 =	vld.idx.msk [tilespmem:v37+s12+$0x0], $0xffff  }
0xf6: {  	v35 =	vld.idx.msk [tilespmem:v35+s13+$0x0], $0xffff  }
0xf7: {  	v34 =	vld.idx.msk [tilespmem:v34+s13+$0x0], $0xffff;
	_ =	sdelay $0x2  }
0xf8: {  	[tilespmem:s14+$0xFFFFFFF0] =	vst v36  }
0xf9: {  	[tilespmem:s14+$0x0] =	vst v37  }
0xfa: {  	p1 =	sgt.u32 s16, $0x1F8;
	[tilespmem:s31+$0xFFFFFFF0] =	vst v35  }
0xfb: {  	s16 =	sadd.s32 @!p1 $0x7, s16;
	[tilespmem:s31+$0x0] =	vst v34  }
0xfc: {  	s17 =	smul.u32 @!p1 $0xCCCD, s16;
	v34 =	vld @!p1 [tilespmem:s15+$0x7];
	_ =	sdelay $0x1  }
0xfd: {  	s17 =	sshrl.u32 @!p1 s17, $0x13  }
0xfe: {  	s17 =	smul.u32 @!p1 $0xA, s17;
	_ =	sdelay $0x1  }
0xff: {  	s16 =	ssub.s32 @!p1 s16, s17;
	(v2sf) =	vpush @!p1 v34, $0x0  }
0x100: {  	s16 =	sand.u32 @!p1 $0xFFFF, s16  }
0x101: {  	s18 =	sshll.u32 @!p1 s16, $0xC;
	s21 =	sadd.s32 @!p1 $0x1, s16;
	s17 =	sadd.s32 @!p1 $0xB, s16  }
0x102: {  	s16 =	sor.u32 @!p1 $0x500, s18;
	s18 =	sadd.s32 @!p1 $0xA500, s18;
	_ =	sdelay $0xb  }
0x103: {  	s19 =	simm.s32 @!p1 $0x7A1400;
	s20 =	spop @!p1 (v2sf)  }
0x104: {  	s22 =	sand.u32 @!p1 $0xFFFFF80, s20;
	s20 =	simm.s32 @!p1 $0x400  }
0x105: {  	s22 =	sadd.s32 @!p1 s0, s22  }
0x106: {  	[tilespmem:s16], [sflag:s21] =	stream.strided.gather @!p1 [hbm4b:s22+s20], $0x1000, s19, s20, $0x38;
	[tilespmem:$0x1C700] =	vst v63  }
0x107: {  	v34 =	vld @!p1 [tilespmem:s2+$0x7];
	_ =	sdelay $0x4  }
0x108: {  	(v2sf) =	vpush @!p1 v34, $0x0;
	_ =	sdelay $0x8  }
.Ltmp0:
0x109: {  	(pc) =	sbr.rel @p0 .LBB2_2-.Ltmp0, $2  }
0x10a: {  	_ =	sdelay $0x2  }
0x10b: {  	s14 =	sadd.s32 $0x20, s14;
	s31 =	sadd.s32 $0x20, s31  }
0x10c: {  	s2 =	simm.s32 $0x0  }
0x10d: {  	v34 =	vor.u32 s2, v1  }
0x10e: {  	s3 =	spop @!p1 (v2sf)  }
0x10f: {  	v35 =	vor.u32 s2, v3;
	s3 =	sand.u32 @!p1 $0xFFFFF80, s3  }
0x110: {  	s3 =	sadd.s32 @!p1 s1, s3  }
0x111: {  	v36 =	vor.u32 s2, v4;
	[tilespmem:s18], [sflag:s17] =	stream.strided.gather @!p1 [hbm4b:s3+s20], $0x1000, s19, s20, $0x38;
	[tilespmem:$0x1C700] =	vst v63  }
0x112: {  	v37 =	vld.idx.msk [tilespmem:v34+s28+$0x0], $0xffff  }
0x113: {  	v38 =	vor.u32 s2, v5;
	v34 =	vld.idx.msk [tilespmem:v34+s26+$0x0], $0xffff  }
0x114: {  	v39 =	vld.idx.msk [tilespmem:v35+s26+$0x0], $0xffff  }
0x115: {  	v40 =	vor.u32 s2, v6;
	v35 =	vld.idx.msk [tilespmem:v35+s28+$0x0], $0xffff  }
0x116: {  	v41 =	vld.idx.msk [tilespmem:v36+s26+$0x0], $0xffff  }
0x117: {  	v42 =	vor.u32 s2, v7;
	v36 =	vld.idx.msk [tilespmem:v36+s28+$0x0], $0xffff  }
0x118: {  	v43 =	vld.idx.msk [tilespmem:v38+s26+$0x0], $0xffff;
	v34 =	vmul.f32 v37, v34  }
0x119: {  	v58 =	vor.u32 s2, v8;
	v57 =	vld.idx.msk [tilespmem:v38+s28+$0x0], $0xffff  }
0x11a: {  	v44 =	vld.idx.msk [tilespmem:v40+s26+$0x0], $0xffff;
	v35 =	vmul.f32 v35, v39;
	v34 =	vadd.f32 $0.0e+00, v34  }
0x11b: {  	v60 =	vor.u32 s2, v9;
	v59 =	vld.idx.msk [tilespmem:v40+s28+$0x0], $0xffff  }
0x11c: {  	v45 =	vld.idx.msk [tilespmem:v42+s26+$0x0], $0xffff;
	v61 =	vmul.f32 v36, v41;
	v34 =	vadd.f32 v35, v34  }
0x11d: {  	v63 =	vor.u32 s2, v10;
	v62 =	vld.idx.msk [tilespmem:v42+s28+$0x0], $0xffff  }
0x11e: {  	v48 =	vld.idx.msk [tilespmem:v58+s26+$0x0], $0xffff;
	v49 =	vmul.f32 v57, v43;
	v34 =	vadd.f32 v61, v34  }
0x11f: {  	v51 =	vor.u32 s2, v11;
	v50 =	vld.idx.msk [tilespmem:v58+s28+$0x0], $0xffff  }
0x120: {  	v52 =	vld.idx.msk [tilespmem:v60+s26+$0x0], $0xffff;
	v53 =	vmul.f32 v59, v44;
	v34 =	vadd.f32 v49, v34  }
0x121: {  	v55 =	vor.u32 s2, v12;
	v54 =	vld.idx.msk [tilespmem:v60+s28+$0x0], $0xffff  }
0x122: {  	v56 =	vld.idx.msk [tilespmem:v63+s26+$0x0], $0xffff;
	v57 =	vmul.f32 v62, v45;
	v34 =	vadd.f32 v53, v34  }
0x123: {  	v58 =	vld.idx.msk [tilespmem:v63+s28+$0x0], $0xffff;
	v59 =	vor.u32 s2, v13  }
0x124: {  	v60 =	vld.idx.msk [tilespmem:v51+s26+$0x0], $0xffff;
	v61 =	vmul.f32 v50, v48;
	v34 =	vadd.f32 v57, v34  }
0x125: {  	v63 =	vor.u32 s2, v14;
	v62 =	vld.idx.msk [tilespmem:v51+s28+$0x0], $0xffff  }
0x126: {  	v48 =	vld.idx.msk [tilespmem:v55+s26+$0x0], $0xffff;
	v49 =	vmul.f32 v54, v52;
	v34 =	vadd.f32 v61, v34  }
0x127: {  	v51 =	vor.u32 s2, v15;
	v50 =	vld.idx.msk [tilespmem:v55+s28+$0x0], $0xffff  }
0x128: {  	v52 =	vld.idx.msk [tilespmem:v59+s26+$0x0], $0xffff;
	v53 =	vmul.f32 v58, v56;
	v34 =	vadd.f32 v49, v34  }
0x129: {  	v55 =	vor.u32 s2, v16;
	v54 =	vld.idx.msk [tilespmem:v59+s28+$0x0], $0xffff  }
0x12a: {  	v56 =	vld.idx.msk [tilespmem:v63+s26+$0x0], $0xffff;
	v57 =	vmul.f32 v62, v60;
	v34 =	vadd.f32 v53, v34  }
0x12b: {  	v59 =	vor.u32 s2, v17;
	v58 =	vld.idx.msk [tilespmem:v63+s28+$0x0], $0xffff  }
0x12c: {  	v60 =	vld.idx.msk [tilespmem:v51+s26+$0x0], $0xffff;
	v61 =	vmul.f32 v50, v48;
	v34 =	vadd.f32 v57, v34  }
0x12d: {  	v63 =	vor.u32 s2, v18;
	v62 =	vld.idx.msk [tilespmem:v51+s28+$0x0], $0xffff  }
0x12e: {  	v48 =	vld.idx.msk [tilespmem:v55+s26+$0x0], $0xffff;
	v49 =	vmul.f32 v54, v52;
	v34 =	vadd.f32 v61, v34  }
0x12f: {  	v51 =	vor.u32 s2, v19;
	v50 =	vld.idx.msk [tilespmem:v55+s28+$0x0], $0xffff  }
0x130: {  	v52 =	vld.idx.msk [tilespmem:v59+s26+$0x0], $0xffff;
	v53 =	vmul.f32 v58, v56;
	v34 =	vadd.f32 v49, v34  }
0x131: {  	v55 =	vor.u32 s2, v20;
	v54 =	vld.idx.msk [tilespmem:v59+s28+$0x0], $0xffff  }
0x132: {  	v56 =	vld.idx.msk [tilespmem:v63+s26+$0x0], $0xffff;
	v57 =	vmul.f32 v62, v60;
	v34 =	vadd.f32 v53, v34  }
0x133: {  	v59 =	vor.u32 s2, v21;
	v58 =	vld.idx.msk [tilespmem:v63+s28+$0x0], $0xffff  }
0x134: {  	v60 =	vld.idx.msk [tilespmem:v51+s26+$0x0], $0xffff;
	v61 =	vmul.f32 v50, v48;
	v34 =	vadd.f32 v57, v34  }
0x135: {  	v63 =	vor.u32 s2, v22;
	v62 =	vld.idx.msk [tilespmem:v51+s28+$0x0], $0xffff  }
0x136: {  	v48 =	vld.idx.msk [tilespmem:v55+s26+$0x0], $0xffff;
	v49 =	vmul.f32 v54, v52;
	v34 =	vadd.f32 v61, v34  }
0x137: {  	v51 =	vor.u32 s2, v23;
	v50 =	vld.idx.msk [tilespmem:v55+s28+$0x0], $0xffff  }
0x138: {  	v52 =	vld.idx.msk [tilespmem:v59+s26+$0x0], $0xffff;
	v53 =	vmul.f32 v58, v56;
	v34 =	vadd.f32 v49, v34  }
0x139: {  	v55 =	vor.u32 s2, v24;
	v54 =	vld.idx.msk [tilespmem:v59+s28+$0x0], $0xffff  }
0x13a: {  	v56 =	vld.idx.msk [tilespmem:v63+s26+$0x0], $0xffff;
	v57 =	vmul.f32 v62, v60;
	v34 =	vadd.f32 v53, v34  }
0x13b: {  	v59 =	vor.u32 s2, v25;
	v58 =	vld.idx.msk [tilespmem:v63+s28+$0x0], $0xffff  }
0x13c: {  	v60 =	vld.idx.msk [tilespmem:v51+s26+$0x0], $0xffff;
	v61 =	vmul.f32 v50, v48;
	v34 =	vadd.f32 v57, v34  }
0x13d: {  	v63 =	vor.u32 s2, v26;
	v62 =	vld.idx.msk [tilespmem:v51+s28+$0x0], $0xffff  }
0x13e: {  	v48 =	vld.idx.msk [tilespmem:v55+s26+$0x0], $0xffff;
	v49 =	vmul.f32 v54, v52;
	v34 =	vadd.f32 v61, v34  }
0x13f: {  	v51 =	vor.u32 s2, v27;
	v50 =	vld.idx.msk [tilespmem:v55+s28+$0x0], $0xffff  }
0x140: {  	v52 =	vld.idx.msk [tilespmem:v59+s26+$0x0], $0xffff;
	v53 =	vmul.f32 v58, v56;
	v34 =	vadd.f32 v49, v34  }
0x141: {  	v55 =	vor.u32 s2, v28;
	v54 =	vld.idx.msk [tilespmem:v59+s28+$0x0], $0xffff  }
0x142: {  	v56 =	vld.idx.msk [tilespmem:v63+s26+$0x0], $0xffff;
	v57 =	vmul.f32 v62, v60;
	v34 =	vadd.f32 v53, v34  }
0x143: {  	v59 =	vor.u32 s2, v29;
	v58 =	vld.idx.msk [tilespmem:v63+s28+$0x0], $0xffff  }
0x144: {  	v60 =	vld.idx.msk [tilespmem:v51+s26+$0x0], $0xffff;
	v61 =	vmul.f32 v50, v48;
	v34 =	vadd.f32 v57, v34  }
0x145: {  	v63 =	vor.u32 s2, v30;
	v62 =	vld.idx.msk [tilespmem:v51+s28+$0x0], $0xffff  }
0x146: {  	v48 =	vld.idx.msk [tilespmem:v55+s26+$0x0], $0xffff;
	v49 =	vmul.f32 v54, v52;
	v34 =	vadd.f32 v61, v34  }
0x147: {  	v51 =	vor.u32 s2, v31;
	v50 =	vld.idx.msk [tilespmem:v55+s28+$0x0], $0xffff  }
0x148: {  	v52 =	vld.idx.msk [tilespmem:v59+s26+$0x0], $0xffff;
	v53 =	vmul.f32 v58, v56;
	v34 =	vadd.f32 v49, v34  }
0x149: {  	v55 =	vor.u32 s2, v32;
	v54 =	vld.idx.msk [tilespmem:v59+s28+$0x0], $0xffff  }
0x14a: {  	v56 =	vld.idx.msk [tilespmem:v63+s26+$0x0], $0xffff;
	v57 =	vmul.f32 v62, v60;
	v34 =	vadd.f32 v53, v34  }
0x14b: {  	v59 =	vor.u32 s2, v33;
	v58 =	vld.idx.msk [tilespmem:v63+s28+$0x0], $0xffff  }
0x14c: {  	v60 =	vld.idx.msk [tilespmem:v51+s26+$0x0], $0xffff;
	v61 =	vmul.f32 v50, v48;
	v34 =	vadd.f32 v57, v34  }
0x14d: {  	v62 =	vld.idx.msk [tilespmem:v51+s28+$0x0], $0xffff  }
0x14e: {  	v63 =	vld.idx.msk [tilespmem:v55+s26+$0x0], $0xffff;
	v43 =	vmul.f32 v54, v52;
	v34 =	vadd.f32 v61, v34  }
0x14f: {  	v46 =	vld.idx.msk [tilespmem:v55+s28+$0x0], $0xffff  }
0x150: {  	v47 =	vld.idx.msk [tilespmem:v59+s26+$0x0], $0xffff;
	v48 =	vmul.f32 v58, v56;
	v34 =	vadd.f32 v43, v34  }
0x151: {  	v49 =	vld.idx.msk [tilespmem:v59+s28+$0x0], $0xffff  }
0x152: {  	v50 =	vmul.f32 v62, v60;
	v34 =	vadd.f32 v48, v34;
	_ =	sdelay $0x1  }
0x153: {  	v51 =	vmul.f32 v46, v63;
	v34 =	vadd.f32 v50, v34;
	_ =	sdelay $0x1  }
0x154: {  	v52 =	vmul.f32 v49, v47;
	v34 =	vadd.f32 v51, v34;
	_ =	sdelay $0x1  }
0x155: {  	v34 =	vadd.f32 v52, v34;
	_ =	sdelay $0x1  }
0x156: {  	v34 =	vsub.f32 $0.0e+00, v34;
	_ =	sdelay $0x1  }
0x157: {  	v34 =	vmul.f32 $1.442695020e+00, v34;
	_ =	sdelay $0x1  }
0x158: {  	(erf) = vpow2.f32 v34;
	_ =	sdelay $0x8  }
0x159: {  	v34 =	vpop (erf)  }
0x15a: {  	v34 =	vadd.f32 $1.000000000e+00, v34;
	_ =	sdelay $0x1  }
0x15b: {  	(erf) = vrcp.f32 v34;
	_ =	sdelay $0x4  }
0x15c: {  	s22 =	simm.s32 $0x200  }
0x15d: {  	v53 =	vor.u32 s22, v1;
	_ =	sdelay $0x1  }
0x15e: {  	v54 =	vor.u32 s22, v3  }
0x15f: {  	s31 =	simm.s32 $0x1C500;
	v55 =	vpop (erf)  }
0x160: {  	v56 =	vor.u32 s22, v4;
	[tilespmem:s31+$0x0] =	vst v55  }
0x161: {  	v36 =	vld.idx.msk [tilespmem:v53+s28+$0x0], $0xffff  }
0x162: {  	v57 =	vor.u32 s22, v5;
	v34 =	vld.idx.msk [tilespmem:v53+s26+$0x0], $0xffff  }
0x163: {  	v58 =	vld.idx.msk [tilespmem:v54+s26+$0x0], $0xffff  }
0x164: {  	v59 =	vor.u32 s22, v6;
	v35 =	vld.idx.msk [tilespmem:v54+s28+$0x0], $0xffff  }
0x165: {  	v60 =	vld.idx.msk [tilespmem:v56+s26+$0x0], $0xffff  }
0x166: {  	v61 =	vor.u32 s22, v7;
	v37 =	vld.idx.msk [tilespmem:v56+s28+$0x0], $0xffff  }
0x167: {  	v62 =	vld.idx.msk [tilespmem:v57+s26+$0x0], $0xffff;
	v34 =	vmul.f32 v36, v34  }
0x168: {  	v48 =	vor.u32 s22, v8;
	v63 =	vld.idx.msk [tilespmem:v57+s28+$0x0], $0xffff  }
0x169: {  	v49 =	vld.idx.msk [tilespmem:v59+s26+$0x0], $0xffff;
	v35 =	vmul.f32 v35, v58;
	v34 =	vadd.f32 $0.0e+00, v34  }
0x16a: {  	v51 =	vor.u32 s22, v9;
	v50 =	vld.idx.msk [tilespmem:v59+s28+$0x0], $0xffff  }
0x16b: {  	v52 =	vld.idx.msk [tilespmem:v61+s26+$0x0], $0xffff;
	v53 =	vmul.f32 v37, v60;
	v34 =	vadd.f32 v35, v34  }
0x16c: {  	v55 =	vor.u32 s22, v10;
	v54 =	vld.idx.msk [tilespmem:v61+s28+$0x0], $0xffff  }
0x16d: {  	v56 =	vld.idx.msk [tilespmem:v48+s26+$0x0], $0xffff;
	v57 =	vmul.f32 v63, v62;
	v34 =	vadd.f32 v53, v34  }
0x16e: {  	v59 =	vor.u32 s22, v11;
	v58 =	vld.idx.msk [tilespmem:v48+s28+$0x0], $0xffff  }
0x16f: {  	v60 =	vld.idx.msk [tilespmem:v51+s26+$0x0], $0xffff;
	v61 =	vmul.f32 v50, v49;
	v34 =	vadd.f32 v57, v34  }
0x170: {  	v62 =	vld.idx.msk [tilespmem:v51+s28+$0x0], $0xffff;
	v63 =	vor.u32 s22, v12  }
0x171: {  	v48 =	vld.idx.msk [tilespmem:v55+s26+$0x0], $0xffff;
	v49 =	vmul.f32 v54, v52;
	v34 =	vadd.f32 v61, v34  }
0x172: {  	v50 =	vld.idx.msk [tilespmem:v55+s28+$0x0], $0xffff;
	v51 =	vor.u32 s22, v13  }
0x173: {  	v52 =	vld.idx.msk [tilespmem:v59+s26+$0x0], $0xffff;
	v53 =	vmul.f32 v58, v56;
	v34 =	vadd.f32 v49, v34  }
0x174: {  	v54 =	vld.idx.msk [tilespmem:v59+s28+$0x0], $0xffff;
	v55 =	vor.u32 s22, v14  }
0x175: {  	v56 =	vld.idx.msk [tilespmem:v63+s26+$0x0], $0xffff;
	v57 =	vmul.f32 v62, v60;
	v34 =	vadd.f32 v53, v34  }
0x176: {  	v59 =	vor.u32 s22, v15;
	v58 =	vld.idx.msk [tilespmem:v63+s28+$0x0], $0xffff  }
0x177: {  	v60 =	vld.idx.msk [tilespmem:v51+s26+$0x0], $0xffff;
	v61 =	vmul.f32 v50, v48;
	v34 =	vadd.f32 v57, v34  }
0x178: {  	v63 =	vor.u32 s22, v16;
	v62 =	vld.idx.msk [tilespmem:v51+s28+$0x0], $0xffff  }
0x179: {  	v48 =	vld.idx.msk [tilespmem:v55+s26+$0x0], $0xffff;
	v49 =	vmul.f32 v54, v52;
	v34 =	vadd.f32 v61, v34  }
0x17a: {  	v51 =	vor.u32 s22, v17;
	v50 =	vld.idx.msk [tilespmem:v55+s28+$0x0], $0xffff  }
0x17b: {  	v52 =	vld.idx.msk [tilespmem:v59+s26+$0x0], $0xffff;
	v53 =	vmul.f32 v58, v56;
	v34 =	vadd.f32 v49, v34  }
0x17c: {  	v55 =	vor.u32 s22, v18;
	v54 =	vld.idx.msk [tilespmem:v59+s28+$0x0], $0xffff  }
0x17d: {  	v56 =	vld.idx.msk [tilespmem:v63+s26+$0x0], $0xffff;
	v57 =	vmul.f32 v62, v60;
	v34 =	vadd.f32 v53, v34  }
0x17e: {  	v59 =	vor.u32 s22, v19;
	v58 =	vld.idx.msk [tilespmem:v63+s28+$0x0], $0xffff  }
0x17f: {  	v60 =	vld.idx.msk [tilespmem:v51+s26+$0x0], $0xffff;
	v61 =	vmul.f32 v50, v48;
	v34 =	vadd.f32 v57, v34  }
0x180: {  	v63 =	vor.u32 s22, v20;
	v62 =	vld.idx.msk [tilespmem:v51+s28+$0x0], $0xffff  }
0x181: {  	v48 =	vld.idx.msk [tilespmem:v55+s26+$0x0], $0xffff;
	v49 =	vmul.f32 v54, v52;
	v34 =	vadd.f32 v61, v34  }
0x182: {  	v51 =	vor.u32 s22, v21;
	v50 =	vld.idx.msk [tilespmem:v55+s28+$0x0], $0xffff  }
0x183: {  	v52 =	vld.idx.msk [tilespmem:v59+s26+$0x0], $0xffff;
	v53 =	vmul.f32 v58, v56;
	v34 =	vadd.f32 v49, v34  }
0x184: {  	v55 =	vor.u32 s22, v22;
	v54 =	vld.idx.msk [tilespmem:v59+s28+$0x0], $0xffff  }
0x185: {  	v56 =	vld.idx.msk [tilespmem:v63+s26+$0x0], $0xffff;
	v57 =	vmul.f32 v62, v60;
	v34 =	vadd.f32 v53, v34  }
0x186: {  	v59 =	vor.u32 s22, v23;
	v58 =	vld.idx.msk [tilespmem:v63+s28+$0x0], $0xffff  }
0x187: {  	v60 =	vld.idx.msk [tilespmem:v51+s26+$0x0], $0xffff;
	v61 =	vmul.f32 v50, v48;
	v34 =	vadd.f32 v57, v34  }
0x188: {  	v63 =	vor.u32 s22, v24;
	v62 =	vld.idx.msk [tilespmem:v51+s28+$0x0], $0xffff  }
0x189: {  	v48 =	vld.idx.msk [tilespmem:v55+s26+$0x0], $0xffff;
	v49 =	vmul.f32 v54, v52;
	v34 =	vadd.f32 v61, v34  }
0x18a: {  	v51 =	vor.u32 s22, v25;
	v50 =	vld.idx.msk [tilespmem:v55+s28+$0x0], $0xffff  }
0x18b: {  	v52 =	vld.idx.msk [tilespmem:v59+s26+$0x0], $0xffff;
	v53 =	vmul.f32 v58, v56;
	v34 =	vadd.f32 v49, v34  }
0x18c: {  	v55 =	vor.u32 s22, v26;
	v54 =	vld.idx.msk [tilespmem:v59+s28+$0x0], $0xffff  }
0x18d: {  	v56 =	vld.idx.msk [tilespmem:v63+s26+$0x0], $0xffff;
	v57 =	vmul.f32 v62, v60;
	v34 =	vadd.f32 v53, v34  }
0x18e: {  	v59 =	vor.u32 s22, v27;
	v58 =	vld.idx.msk [tilespmem:v63+s28+$0x0], $0xffff  }
0x18f: {  	v60 =	vld.idx.msk [tilespmem:v51+s26+$0x0], $0xffff;
	v61 =	vmul.f32 v50, v48;
	v34 =	vadd.f32 v57, v34  }
0x190: {  	v63 =	vor.u32 s22, v28;
	v62 =	vld.idx.msk [tilespmem:v51+s28+$0x0], $0xffff  }
0x191: {  	v48 =	vld.idx.msk [tilespmem:v55+s26+$0x0], $0xffff;
	v49 =	vmul.f32 v54, v52;
	v34 =	vadd.f32 v61, v34  }
0x192: {  	v51 =	vor.u32 s22, v29;
	v50 =	vld.idx.msk [tilespmem:v55+s28+$0x0], $0xffff  }
0x193: {  	v52 =	vld.idx.msk [tilespmem:v59+s26+$0x0], $0xffff;
	v53 =	vmul.f32 v58, v56;
	v34 =	vadd.f32 v49, v34  }
0x194: {  	v55 =	vor.u32 s22, v30;
	v54 =	vld.idx.msk [tilespmem:v59+s28+$0x0], $0xffff  }
0x195: {  	v56 =	vld.idx.msk [tilespmem:v63+s26+$0x0], $0xffff;
	v57 =	vmul.f32 v62, v60;
	v34 =	vadd.f32 v53, v34  }
0x196: {  	v59 =	vor.u32 s22, v31;
	v58 =	vld.idx.msk [tilespmem:v63+s28+$0x0], $0xffff  }
0x197: {  	v60 =	vld.idx.msk [tilespmem:v51+s26+$0x0], $0xffff;
	v61 =	vmul.f32 v50, v48;
	v34 =	vadd.f32 v57, v34  }
0x198: {  	v63 =	vor.u32 s22, v32;
	v62 =	vld.idx.msk [tilespmem:v51+s28+$0x0], $0xffff  }
0x199: {  	v48 =	vld.idx.msk [tilespmem:v55+s26+$0x0], $0xffff;
	v49 =	vmul.f32 v54, v52;
	v34 =	vadd.f32 v61, v34  }
0x19a: {  	v51 =	vor.u32 s22, v33;
	v50 =	vld.idx.msk [tilespmem:v55+s28+$0x0], $0xffff  }
0x19b: {  	v52 =	vld.idx.msk [tilespmem:v59+s26+$0x0], $0xffff;
	v53 =	vmul.f32 v58, v56;
	v34 =	vadd.f32 v49, v34  }
0x19c: {  	v54 =	vld.idx.msk [tilespmem:v59+s28+$0x0], $0xffff  }
0x19d: {  	v55 =	vld.idx.msk [tilespmem:v63+s26+$0x0], $0xffff;
	v56 =	vmul.f32 v62, v60;
	v34 =	vadd.f32 v53, v34  }
0x19e: {  	v57 =	vld.idx.msk [tilespmem:v63+s28+$0x0], $0xffff  }
0x19f: {  	v58 =	vld.idx.msk [tilespmem:v51+s26+$0x0], $0xffff;
	v59 =	vmul.f32 v50, v48;
	v34 =	vadd.f32 v56, v34  }
0x1a0: {  	v60 =	vld.idx.msk [tilespmem:v51+s28+$0x0], $0xffff  }
0x1a1: {  	v61 =	vmul.f32 v54, v52;
	v34 =	vadd.f32 v59, v34;
	_ =	sdelay $0x1  }
0x1a2: {  	v62 =	vmul.f32 v57, v55;
	v34 =	vadd.f32 v61, v34;
	_ =	sdelay $0x1  }
0x1a3: {  	v63 =	vmul.f32 v60, v58;
	v34 =	vadd.f32 v62, v34;
	_ =	sdelay $0x1  }
0x1a4: {  	v34 =	vadd.f32 v63, v34;
	_ =	sdelay $0x1  }
0x1a5: {  	v34 =	vsub.f32 $0.0e+00, v34;
	_ =	sdelay $0x1  }
0x1a6: {  	v34 =	vmul.f32 $1.442695020e+00, v34;
	_ =	sdelay $0x1  }
0x1a7: {  	(erf) = vpow2.f32 v34;
	_ =	sdelay $0x8  }
0x1a8: {  	v34 =	vpop (erf)  }
0x1a9: {  	v34 =	vadd.f32 $1.000000000e+00, v34;
	_ =	sdelay $0x1  }
0x1aa: {  	(erf) = vrcp.f32 v34;
	_ =	sdelay $0x4  }
0x1ab: {  	s2 =	simm.s32 $0x400  }
0x1ac: {  	v34 =	vor.u32 s2, v1  }
0x1ad: {  	s3 =	simm.s32 $0x600  }
.LBB2_4:
0x1ae: {  	p0 =	sne.s32 s3, $0x3E00;
	v35 =	vor.u32 s2, v3  }
0x1af: {  	s31 =	sadd.s32 $0x10, s31;
	v36 =	vpop (erf)  }
0x1b0: {  	v37 =	vor.u32 s2, v4;
	[tilespmem:s31+$0x0] =	vst v36  }
0x1b1: {  	v36 =	vld.idx.msk [tilespmem:v34+s28+$0x0], $0xffff  }
0x1b2: {  	v38 =	vor.u32 s2, v5;
	v34 =	vld.idx.msk [tilespmem:v34+s26+$0x0], $0xffff  }
0x1b3: {  	v39 =	vld.idx.msk [tilespmem:v35+s26+$0x0], $0xffff  }
0x1b4: {  	v40 =	vor.u32 s2, v6;
	v35 =	vld.idx.msk [tilespmem:v35+s28+$0x0], $0xffff  }
0x1b5: {  	v41 =	vld.idx.msk [tilespmem:v37+s26+$0x0], $0xffff  }
0x1b6: {  	v42 =	vor.u32 s2, v7;
	v37 =	vld.idx.msk [tilespmem:v37+s28+$0x0], $0xffff  }
0x1b7: {  	v43 =	vld.idx.msk [tilespmem:v38+s26+$0x0], $0xffff  }
0x1b8: {  	v34 =	vmul.f32 v36, v34;
	v36 =	vld.idx.msk [tilespmem:v38+s28+$0x0], $0xffff;
	v38 =	vor.u32 s2, v8  }
0x1b9: {  	v44 =	vld.idx.msk [tilespmem:v40+s26+$0x0], $0xffff  }
0x1ba: {  	v34 =	vadd.f32 $0.0e+00, v34;
	v35 =	vmul.f32 v35, v39;
	v39 =	vld.idx.msk [tilespmem:v40+s28+$0x0], $0xffff;
	v40 =	vor.u32 s2, v9  }
0x1bb: {  	v45 =	vld.idx.msk [tilespmem:v42+s26+$0x0], $0xffff  }
0x1bc: {  	v34 =	vadd.f32 v35, v34;
	v35 =	vmul.f32 v37, v41;
	v41 =	vor.u32 s2, v10;
	v37 =	vld.idx.msk [tilespmem:v42+s28+$0x0], $0xffff  }
0x1bd: {  	v42 =	vld.idx.msk [tilespmem:v38+s26+$0x0], $0xffff  }
0x1be: {  	v34 =	vadd.f32 v35, v34;
	v35 =	vmul.f32 v36, v43;
	v36 =	vld.idx.msk [tilespmem:v38+s28+$0x0], $0xffff;
	v38 =	vor.u32 s2, v11  }
0x1bf: {  	v43 =	vld.idx.msk [tilespmem:v40+s26+$0x0], $0xffff  }
0x1c0: {  	v34 =	vadd.f32 v35, v34;
	v35 =	vmul.f32 v39, v44;
	v39 =	vld.idx.msk [tilespmem:v40+s28+$0x0], $0xffff;
	v40 =	vor.u32 s2, v12  }
0x1c1: {  	v44 =	vld.idx.msk [tilespmem:v41+s26+$0x0], $0xffff  }
0x1c2: {  	v34 =	vadd.f32 v35, v34;
	v35 =	vmul.f32 v37, v45;
	v37 =	vld.idx.msk [tilespmem:v41+s28+$0x0], $0xffff;
	v41 =	vor.u32 s2, v13  }
0x1c3: {  	v45 =	vld.idx.msk [tilespmem:v38+s26+$0x0], $0xffff  }
0x1c4: {  	v34 =	vadd.f32 v35, v34;
	v35 =	vmul.f32 v36, v42;
	v36 =	vld.idx.msk [tilespmem:v38+s28+$0x0], $0xffff;
	v38 =	vor.u32 s2, v14  }
0x1c5: {  	v42 =	vld.idx.msk [tilespmem:v40+s26+$0x0], $0xffff  }
0x1c6: {  	v34 =	vadd.f32 v35, v34;
	v35 =	vmul.f32 v39, v43;
	v39 =	vld.idx.msk [tilespmem:v40+s28+$0x0], $0xffff;
	v40 =	vor.u32 s2, v15  }
0x1c7: {  	v43 =	vld.idx.msk [tilespmem:v41+s26+$0x0], $0xffff  }
0x1c8: {  	v34 =	vadd.f32 v35, v34;
	v35 =	vmul.f32 v37, v44;
	v37 =	vld.idx.msk [tilespmem:v41+s28+$0x0], $0xffff;
	v41 =	vor.u32 s2, v16  }
0x1c9: {  	v44 =	vld.idx.msk [tilespmem:v38+s26+$0x0], $0xffff  }
0x1ca: {  	v34 =	vadd.f32 v35, v34;
	v35 =	vmul.f32 v36, v45;
	v36 =	vld.idx.msk [tilespmem:v38+s28+$0x0], $0xffff;
	v38 =	vor.u32 s2, v17  }
0x1cb: {  	v45 =	vld.idx.msk [tilespmem:v40+s26+$0x0], $0xffff  }
0x1cc: {  	v34 =	vadd.f32 v35, v34;
	v35 =	vmul.f32 v39, v42;
	v39 =	vld.idx.msk [tilespmem:v40+s28+$0x0], $0xffff;
	v40 =	vor.u32 s2, v18  }
0x1cd: {  	v42 =	vld.idx.msk [tilespmem:v41+s26+$0x0], $0xffff  }
0x1ce: {  	v34 =	vadd.f32 v35, v34;
	v35 =	vmul.f32 v37, v43;
	v37 =	vld.idx.msk [tilespmem:v41+s28+$0x0], $0xffff;
	v41 =	vor.u32 s2, v19  }
0x1cf: {  	v43 =	vld.idx.msk [tilespmem:v38+s26+$0x0], $0xffff  }
0x1d0: {  	v34 =	vadd.f32 v35, v34;
	v35 =	vmul.f32 v36, v44;
	v36 =	vld.idx.msk [tilespmem:v38+s28+$0x0], $0xffff;
	v38 =	vor.u32 s2, v20  }
0x1d1: {  	v44 =	vld.idx.msk [tilespmem:v40+s26+$0x0], $0xffff  }
0x1d2: {  	v34 =	vadd.f32 v35, v34;
	v35 =	vmul.f32 v39, v45;
	v39 =	vld.idx.msk [tilespmem:v40+s28+$0x0], $0xffff;
	v40 =	vor.u32 s2, v21  }
0x1d3: {  	v45 =	vld.idx.msk [tilespmem:v41+s26+$0x0], $0xffff  }
0x1d4: {  	v34 =	vadd.f32 v35, v34;
	v35 =	vmul.f32 v37, v42;
	v37 =	vld.idx.msk [tilespmem:v41+s28+$0x0], $0xffff;
	v41 =	vor.u32 s2, v22  }
0x1d5: {  	v42 =	vld.idx.msk [tilespmem:v38+s26+$0x0], $0xffff  }
0x1d6: {  	v34 =	vadd.f32 v35, v34;
	v35 =	vmul.f32 v36, v43;
	v36 =	vld.idx.msk [tilespmem:v38+s28+$0x0], $0xffff;
	v38 =	vor.u32 s2, v23  }
0x1d7: {  	v43 =	vld.idx.msk [tilespmem:v40+s26+$0x0], $0xffff  }
0x1d8: {  	v34 =	vadd.f32 v35, v34;
	v35 =	vmul.f32 v39, v44;
	v39 =	vld.idx.msk [tilespmem:v40+s28+$0x0], $0xffff;
	v40 =	vor.u32 s2, v24  }
0x1d9: {  	v44 =	vld.idx.msk [tilespmem:v41+s26+$0x0], $0xffff  }
0x1da: {  	v34 =	vadd.f32 v35, v34;
	v35 =	vmul.f32 v37, v45;
	v37 =	vld.idx.msk [tilespmem:v41+s28+$0x0], $0xffff;
	v41 =	vor.u32 s2, v25  }
0x1db: {  	v45 =	vld.idx.msk [tilespmem:v38+s26+$0x0], $0xffff  }
0x1dc: {  	v34 =	vadd.f32 v35, v34;
	v35 =	vmul.f32 v36, v42;
	v36 =	vld.idx.msk [tilespmem:v38+s28+$0x0], $0xffff;
	v38 =	vor.u32 s2, v26  }
0x1dd: {  	v42 =	vld.idx.msk [tilespmem:v40+s26+$0x0], $0xffff  }
0x1de: {  	v34 =	vadd.f32 v35, v34;
	v35 =	vmul.f32 v39, v43;
	v39 =	vld.idx.msk [tilespmem:v40+s28+$0x0], $0xffff;
	v40 =	vor.u32 s2, v27  }
0x1df: {  	v43 =	vld.idx.msk [tilespmem:v41+s26+$0x0], $0xffff  }
0x1e0: {  	v34 =	vadd.f32 v35, v34;
	v35 =	vmul.f32 v37, v44;
	v37 =	vld.idx.msk [tilespmem:v41+s28+$0x0], $0xffff;
	v41 =	vor.u32 s2, v28  }
0x1e1: {  	v44 =	vld.idx.msk [tilespmem:v38+s26+$0x0], $0xffff  }
0x1e2: {  	v34 =	vadd.f32 v35, v34;
	v35 =	vmul.f32 v36, v45;
	v36 =	vld.idx.msk [tilespmem:v38+s28+$0x0], $0xffff;
	v38 =	vor.u32 s2, v29  }
0x1e3: {  	v45 =	vld.idx.msk [tilespmem:v40+s26+$0x0], $0xffff  }
0x1e4: {  	v34 =	vadd.f32 v35, v34;
	v35 =	vmul.f32 v39, v42;
	v39 =	vld.idx.msk [tilespmem:v40+s28+$0x0], $0xffff;
	v40 =	vor.u32 s2, v30  }
0x1e5: {  	v42 =	vld.idx.msk [tilespmem:v41+s26+$0x0], $0xffff  }
0x1e6: {  	v34 =	vadd.f32 v35, v34;
	v35 =	vmul.f32 v37, v43;
	v37 =	vld.idx.msk [tilespmem:v41+s28+$0x0], $0xffff;
	v41 =	vor.u32 s2, v31  }
0x1e7: {  	v43 =	vld.idx.msk [tilespmem:v38+s26+$0x0], $0xffff  }
0x1e8: {  	v34 =	vadd.f32 v35, v34;
	v35 =	vmul.f32 v36, v44;
	v36 =	vld.idx.msk [tilespmem:v38+s28+$0x0], $0xffff;
	v38 =	vor.u32 s2, v32  }
0x1e9: {  	v44 =	vld.idx.msk [tilespmem:v40+s26+$0x0], $0xffff  }
0x1ea: {  	v34 =	vadd.f32 v35, v34;
	v35 =	vmul.f32 v39, v45;
	v39 =	vld.idx.msk [tilespmem:v40+s28+$0x0], $0xffff;
	v40 =	vor.u32 s2, v33;
	s2 =	smov.u32 s3  }
0x1eb: {  	v45 =	vld.idx.msk [tilespmem:v41+s26+$0x0], $0xffff  }
0x1ec: {  	v34 =	vadd.f32 v35, v34;
	v35 =	vmul.f32 v37, v42;
	v37 =	vld.idx.msk [tilespmem:v41+s28+$0x0], $0xffff  }
0x1ed: {  	v41 =	vld.idx.msk [tilespmem:v38+s26+$0x0], $0xffff  }
0x1ee: {  	v34 =	vadd.f32 v35, v34;
	v35 =	vmul.f32 v36, v43;
	v36 =	vld.idx.msk [tilespmem:v38+s28+$0x0], $0xffff  }
0x1ef: {  	v38 =	vld.idx.msk [tilespmem:v40+s26+$0x0], $0xffff  }
0x1f0: {  	v34 =	vadd.f32 v35, v34;
	v35 =	vmul.f32 v39, v44;
	v39 =	vld.idx.msk [tilespmem:v40+s28+$0x0], $0xffff;
	_ =	sdelay $0x1  }
0x1f1: {  	v34 =	vadd.f32 v35, v34;
	v35 =	vmul.f32 v37, v45;
	_ =	sdelay $0x1  }
0x1f2: {  	v34 =	vadd.f32 v35, v34;
	v35 =	vmul.f32 v36, v41;
	_ =	sdelay $0x1  }
0x1f3: {  	v34 =	vadd.f32 v35, v34;
	v35 =	vmul.f32 v39, v38;
	_ =	sdelay $0x1  }
0x1f4: {  	v34 =	vadd.f32 v35, v34;
	_ =	sdelay $0x1  }
0x1f5: {  	v34 =	vsub.f32 $0.0e+00, v34;
	_ =	sdelay $0x1  }
0x1f6: {  	v34 =	vmul.f32 $1.442695020e+00, v34;
	_ =	sdelay $0x1  }
0x1f7: {  	(erf) = vpow2.f32 v34;
	_ =	sdelay $0x8  }
0x1f8: {  	v34 =	vpop (erf)  }
0x1f9: {  	v34 =	vadd.f32 $1.000000000e+00, v34;
	_ =	sdelay $0x1  }
0x1fa: {  	(erf) = vrcp.f32 v34;
	_ =	sdelay $0x2  }
.Ltmp1:
0x1fb: {  	(pc) =	sbr.rel @p0 .LBB2_4-.Ltmp1, $3  }
0x1fc: {  	_ =	sdelay $0x1  }
0x1fd: {  	v34 =	vor.u32 s3, v1  }
0x1fe: {  	s3 =	sadd.s32 $0x200, s3  }
0x1ff: {  	_ = 	snop  }
0x200: {  	v35 =	vor.u32 s2, v3  }
0x201: {  	s3 =	sadd.s32 $0x10, s31;
	v36 =	vpop (erf)  }
0x202: {  	v37 =	vor.u32 s2, v4;
	[tilespmem:s3+$0x0] =	vst v36  }
0x203: {  	v36 =	vld.idx.msk [tilespmem:v34+s28+$0x0], $0xffff  }
0x204: {  	v38 =	vor.u32 s2, v5;
	v48 =	vld.idx.msk [tilespmem:v34+s26+$0x0], $0xffff  }
0x205: {  	v39 =	vld.idx.msk [tilespmem:v35+s26+$0x0], $0xffff  }
0x206: {  	v40 =	vor.u32 s2, v6;
	v35 =	vld.idx.msk [tilespmem:v35+s28+$0x0], $0xffff  }
0x207: {  	v41 =	vld.idx.msk [tilespmem:v37+s26+$0x0], $0xffff  }
0x208: {  	v42 =	vor.u32 s2, v7;
	v37 =	vld.idx.msk [tilespmem:v37+s28+$0x0], $0xffff  }
0x209: {  	v43 =	vld.idx.msk [tilespmem:v38+s26+$0x0], $0xffff;
	v34 =	vmul.f32 v36, v48  }
0x20a: {  	v50 =	vor.u32 s2, v8;
	v49 =	vld.idx.msk [tilespmem:v38+s28+$0x0], $0xffff  }
0x20b: {  	v44 =	vld.idx.msk [tilespmem:v40+s26+$0x0], $0xffff;
	v34 =	vadd.f32 $0.0e+00, v34;
	v35 =	vmul.f32 v35, v39  }
0x20c: {  	v52 =	vor.u32 s2, v9;
	v51 =	vld.idx.msk [tilespmem:v40+s28+$0x0], $0xffff  }
0x20d: {  	v45 =	vld.idx.msk [tilespmem:v42+s26+$0x0], $0xffff;
	v53 =	vmul.f32 v37, v41;
	v34 =	vadd.f32 v35, v34  }
0x20e: {  	v55 =	vor.u32 s2, v10;
	v54 =	vld.idx.msk [tilespmem:v42+s28+$0x0], $0xffff  }
0x20f: {  	v56 =	vld.idx.msk [tilespmem:v50+s26+$0x0], $0xffff;
	v57 =	vmul.f32 v49, v43;
	v34 =	vadd.f32 v53, v34  }
0x210: {  	v59 =	vor.u32 s2, v11;
	v58 =	vld.idx.msk [tilespmem:v50+s28+$0x0], $0xffff  }
0x211: {  	v60 =	vld.idx.msk [tilespmem:v52+s26+$0x0], $0xffff;
	v61 =	vmul.f32 v51, v44;
	v34 =	vadd.f32 v57, v34  }
0x212: {  	v63 =	vor.u32 s2, v12;
	v62 =	vld.idx.msk [tilespmem:v52+s28+$0x0], $0xffff  }
0x213: {  	v50 =	vld.idx.msk [tilespmem:v55+s28+$0x0], $0xffff;
	v49 =	vmul.f32 v54, v45;
	v34 =	vadd.f32 v61, v34  }
0x214: {  	v48 =	vld.idx.msk [tilespmem:v55+s26+$0x0], $0xffff;
	v51 =	vor.u32 s2, v13  }
0x215: {  	v52 =	vld.idx.msk [tilespmem:v59+s26+$0x0], $0xffff;
	v53 =	vmul.f32 v58, v56;
	v34 =	vadd.f32 v49, v34  }
0x216: {  	v55 =	vor.u32 s2, v14;
	v54 =	vld.idx.msk [tilespmem:v59+s28+$0x0], $0xffff  }
0x217: {  	v56 =	vld.idx.msk [tilespmem:v63+s26+$0x0], $0xffff;
	v57 =	vmul.f32 v62, v60;
	v34 =	vadd.f32 v53, v34  }
0x218: {  	v59 =	vor.u32 s2, v15;
	v58 =	vld.idx.msk [tilespmem:v63+s28+$0x0], $0xffff  }
0x219: {  	v60 =	vld.idx.msk [tilespmem:v51+s26+$0x0], $0xffff;
	v61 =	vmul.f32 v50, v48;
	v34 =	vadd.f32 v57, v34  }
0x21a: {  	v63 =	vor.u32 s2, v16;
	v62 =	vld.idx.msk [tilespmem:v51+s28+$0x0], $0xffff  }
0x21b: {  	v48 =	vld.idx.msk [tilespmem:v55+s26+$0x0], $0xffff;
	v49 =	vmul.f32 v54, v52;
	v34 =	vadd.f32 v61, v34  }
0x21c: {  	v51 =	vor.u32 s2, v17;
	v50 =	vld.idx.msk [tilespmem:v55+s28+$0x0], $0xffff  }
0x21d: {  	v52 =	vld.idx.msk [tilespmem:v59+s26+$0x0], $0xffff;
	v53 =	vmul.f32 v58, v56;
	v34 =	vadd.f32 v49, v34  }
0x21e: {  	v55 =	vor.u32 s2, v18;
	v54 =	vld.idx.msk [tilespmem:v59+s28+$0x0], $0xffff  }
0x21f: {  	v56 =	vld.idx.msk [tilespmem:v63+s26+$0x0], $0xffff;
	v57 =	vmul.f32 v62, v60;
	v34 =	vadd.f32 v53, v34  }
0x220: {  	v59 =	vor.u32 s2, v19;
	v58 =	vld.idx.msk [tilespmem:v63+s28+$0x0], $0xffff  }
0x221: {  	v60 =	vld.idx.msk [tilespmem:v51+s26+$0x0], $0xffff;
	v61 =	vmul.f32 v50, v48;
	v34 =	vadd.f32 v57, v34  }
0x222: {  	v63 =	vor.u32 s2, v20;
	v62 =	vld.idx.msk [tilespmem:v51+s28+$0x0], $0xffff  }
0x223: {  	v48 =	vld.idx.msk [tilespmem:v55+s26+$0x0], $0xffff;
	v49 =	vmul.f32 v54, v52;
	v34 =	vadd.f32 v61, v34  }
0x224: {  	v51 =	vor.u32 s2, v21;
	v50 =	vld.idx.msk [tilespmem:v55+s28+$0x0], $0xffff  }
0x225: {  	v52 =	vld.idx.msk [tilespmem:v59+s26+$0x0], $0xffff;
	v53 =	vmul.f32 v58, v56;
	v34 =	vadd.f32 v49, v34  }
0x226: {  	v55 =	vor.u32 s2, v22;
	v54 =	vld.idx.msk [tilespmem:v59+s28+$0x0], $0xffff  }
0x227: {  	v56 =	vld.idx.msk [tilespmem:v63+s26+$0x0], $0xffff;
	v57 =	vmul.f32 v62, v60;
	v34 =	vadd.f32 v53, v34  }
0x228: {  	v59 =	vor.u32 s2, v23;
	v58 =	vld.idx.msk [tilespmem:v63+s28+$0x0], $0xffff  }
0x229: {  	v60 =	vld.idx.msk [tilespmem:v51+s26+$0x0], $0xffff;
	v61 =	vmul.f32 v50, v48;
	v34 =	vadd.f32 v57, v34  }
0x22a: {  	v63 =	vor.u32 s2, v24;
	v62 =	vld.idx.msk [tilespmem:v51+s28+$0x0], $0xffff  }
0x22b: {  	v48 =	vld.idx.msk [tilespmem:v55+s26+$0x0], $0xffff;
	v49 =	vmul.f32 v54, v52;
	v34 =	vadd.f32 v61, v34  }
0x22c: {  	v51 =	vor.u32 s2, v25;
	v50 =	vld.idx.msk [tilespmem:v55+s28+$0x0], $0xffff  }
0x22d: {  	v52 =	vld.idx.msk [tilespmem:v59+s26+$0x0], $0xffff;
	v53 =	vmul.f32 v58, v56;
	v34 =	vadd.f32 v49, v34  }
0x22e: {  	v55 =	vor.u32 s2, v26;
	v54 =	vld.idx.msk [tilespmem:v59+s28+$0x0], $0xffff  }
0x22f: {  	v56 =	vld.idx.msk [tilespmem:v63+s26+$0x0], $0xffff;
	v57 =	vmul.f32 v62, v60;
	v34 =	vadd.f32 v53, v34  }
0x230: {  	v59 =	vor.u32 s2, v27;
	v58 =	vld.idx.msk [tilespmem:v63+s28+$0x0], $0xffff  }
0x231: {  	v60 =	vld.idx.msk [tilespmem:v51+s26+$0x0], $0xffff;
	v61 =	vmul.f32 v50, v48;
	v34 =	vadd.f32 v57, v34  }
0x232: {  	v63 =	vor.u32 s2, v28;
	v62 =	vld.idx.msk [tilespmem:v51+s28+$0x0], $0xffff  }
0x233: {  	v48 =	vld.idx.msk [tilespmem:v55+s26+$0x0], $0xffff;
	v49 =	vmul.f32 v54, v52;
	v34 =	vadd.f32 v61, v34  }
0x234: {  	v51 =	vor.u32 s2, v29;
	v50 =	vld.idx.msk [tilespmem:v55+s28+$0x0], $0xffff  }
0x235: {  	v52 =	vld.idx.msk [tilespmem:v59+s26+$0x0], $0xffff;
	v53 =	vmul.f32 v58, v56;
	v34 =	vadd.f32 v49, v34  }
0x236: {  	v55 =	vor.u32 s2, v30;
	v54 =	vld.idx.msk [tilespmem:v59+s28+$0x0], $0xffff  }
0x237: {  	v56 =	vld.idx.msk [tilespmem:v63+s26+$0x0], $0xffff;
	v57 =	vmul.f32 v62, v60;
	v34 =	vadd.f32 v53, v34  }
0x238: {  	v59 =	vor.u32 s2, v31;
	v58 =	vld.idx.msk [tilespmem:v63+s28+$0x0], $0xffff  }
0x239: {  	v60 =	vld.idx.msk [tilespmem:v51+s26+$0x0], $0xffff;
	v61 =	vmul.f32 v50, v48;
	v34 =	vadd.f32 v57, v34  }
0x23a: {  	v63 =	vor.u32 s2, v32;
	v62 =	vld.idx.msk [tilespmem:v51+s28+$0x0], $0xffff  }
0x23b: {  	v48 =	vld.idx.msk [tilespmem:v55+s26+$0x0], $0xffff;
	v49 =	vmul.f32 v54, v52;
	v34 =	vadd.f32 v61, v34  }
0x23c: {  	v51 =	vor.u32 s2, v33;
	v50 =	vld.idx.msk [tilespmem:v55+s28+$0x0], $0xffff  }
0x23d: {  	v52 =	vld.idx.msk [tilespmem:v59+s26+$0x0], $0xffff;
	v53 =	vmul.f32 v58, v56;
	v34 =	vadd.f32 v49, v34  }
0x23e: {  	v54 =	vld.idx.msk [tilespmem:v59+s28+$0x0], $0xffff  }
0x23f: {  	v55 =	vld.idx.msk [tilespmem:v63+s26+$0x0], $0xffff;
	v56 =	vmul.f32 v62, v60;
	v34 =	vadd.f32 v53, v34  }
0x240: {  	v57 =	vld.idx.msk [tilespmem:v63+s28+$0x0], $0xffff  }
0x241: {  	v58 =	vld.idx.msk [tilespmem:v51+s26+$0x0], $0xffff;
	v59 =	vmul.f32 v50, v48;
	v34 =	vadd.f32 v56, v34  }
0x242: {  	v60 =	vld.idx.msk [tilespmem:v51+s28+$0x0], $0xffff  }
0x243: {  	v61 =	vmul.f32 v54, v52;
	v34 =	vadd.f32 v59, v34;
	_ =	sdelay $0x1  }
0x244: {  	v62 =	vmul.f32 v57, v55;
	v34 =	vadd.f32 v61, v34;
	_ =	sdelay $0x1  }
0x245: {  	v63 =	vmul.f32 v60, v58;
	v34 =	vadd.f32 v62, v34;
	_ =	sdelay $0x1  }
0x246: {  	v34 =	vadd.f32 v63, v34;
	_ =	sdelay $0x1  }
0x247: {  	v34 =	vsub.f32 $0.0e+00, v34;
	_ =	sdelay $0x1  }
0x248: {  	v34 =	vmul.f32 $1.442695020e+00, v34;
	_ =	sdelay $0x1  }
0x249: {  	(erf) = vpow2.f32 v34;
	_ =	sdelay $0x8  }
0x24a: {  	v34 =	vpop (erf)  }
0x24b: {  	v34 =	vadd.f32 $1.000000000e+00, v34;
	_ =	sdelay $0x1  }
0x24c: {  	(erf) = vrcp.f32 v34;
	_ =	sdelay $0x7  }
0x24d: {  	s30 =	sadd.s32 $0x1, s30  }
0x24e: {  	s31 =	sadd.s32 $0x10, s3;
	p0 =	sne.s32 s30, s9;
	v34 =	vpop (erf)  }
.Ltmp2:
0x24f: {  	[tilespmem:s31+$0x0] =	vst v34;
	(pc) =	sbr.rel @p0 .LBB2_1-.Ltmp2, $4  }
0x250: {  	[hbm4b:s7+s4] =	stream.linear.scatter [tilespmem:s29], [sflag:$0x15], $0x200, $0x38;
	[tilespmem:$0x1C700] =	vst v63  }
0x251: {  	_ =	swait.ge [sflag:s8], $0x200  }
0x252: {  	[sflag:s8] =	ssyncset.done $0x0  }
0x253: {  	[sflag:s8] =	ssyncadd.s32 $0xFFFFFE00  }
0x254: {  	_ =	sfence.sel $0x180000  }
0x255: {  	[bflag:$0x0] =	sbarrier.arrive $0xFFFF  }
0x256: {  	_ =	strace $0x90000047  }
0x257: {  	s0 =	stileid.u32;
	[bflag:$0x2] =	sbarrier.arrive $0xFFFF  }
0x258: {  	p0 =	sne.s32 s0, $0x0;
	s0 =	rddreg [dreg:$0x5]  }
0x259: {  	s0 =	sadd.s32 @!p0 $0x100000, s0  }
0x25a: {  	[sflag:s0] =	ssyncadd.tile.s32 @!p0 $0x1;
	_ =	shalt  }
.Lfunc_end2:
_tile_overlayer_lowered:
.L_overlay_start_2:
0x25b: {  	(tag) =	ssettag $0x2  }
0x25c: {  	s0 =	rddreg [dreg:$0x0];
	s2 =	stileid.u32  }
0x25d: {  	s1 =	rddreg [dreg:$0x1];
	p0 =	sne.s32 s2, $0x0  }
0x25e: {  	s3 =	rddreg [dreg:$0x2];
	[bflag:$0x3] =	sbarrier.arrive $0xFFFF;
	s2 =	simm.s32 @!p0 $0x1C15  }
0x25f: {  	[timem:s3], [sflag:s2] =	dma.local @!p0 [hbm:s0], s1  }
0x260: {  	s0 =	simm.s32 @!p0 $0x15  }
0x261: {  	_ =	swait.ge @!p0 [sflag:s0], s1  }
0x262: {  	s1 =	ssub.s32 @!p0 $0x0, s1;
	[sflag:s0] =	ssyncset.done @!p0 $0x0  }
0x263: {  	[sflag:s0] =	ssyncadd.s32 @!p0 s1  }
0x264: {  	[bflag:$0x3] =	sbarrier.arrive $0xFFFF  }
0x265: {  	_ =	shalt  }

</sc_bundles>
